<compile_context>
chip_gen: v7x
topology: tpu7x:2x2x1
jax: 0.10.2.dev20260603
libtpu: 0.0.44.dev20260713+nightly
codegen_flags: <defaults>
</compile_context>

<pallas_src>
import dataclasses

import jax
import jax.numpy as jnp
from jax import lax
from jax.experimental import pallas as pl
from jax.experimental.pallas import tpu as pltpu
from jax.experimental.pallas import tpu_sc as plsc

N_USERS = 1000000
N_HORIZONS = 16
BATCH = 16384
LANES = 16

NUM_CORES = 2
NUM_SUBCORES = 16
NUM_WORKERS = NUM_CORES * NUM_SUBCORES
IDS_PER_WORKER = BATCH // NUM_WORKERS
CHUNKS = IDS_PER_WORKER // LANES


def _sc_gather_kernel(st_hbm, bt_hbm, idx_hbm, s_out, b_out,
                      idx_v, rs_v, rb_v, s_v, b_v, sem_s, sem_b):
    wid = lax.axis_index("s") * NUM_CORES + lax.axis_index("c")
    base = wid * IDS_PER_WORKER
    pltpu.sync_copy(idx_hbm.at[pl.ds(base, IDS_PER_WORKER)], idx_v)
    cs = pltpu.async_copy(st_hbm.at[idx_v], rs_v, sem_s)
    cb = pltpu.async_copy(bt_hbm.at[idx_v], rb_v, sem_b)
    cs.wait()
    cb.wait()
    iota = lax.iota(jnp.int32, LANES)

    @pl.loop(0, CHUNKS)
    def _(k):
        rows16 = iota + k * LANES
        for h in range(N_HORIZONS):
            hvec = jnp.full((LANES,), h, jnp.int32)
            s_v[h, pl.ds(k * LANES, LANES)] = plsc.load_gather(
                rs_v, [rows16, hvec])
            b_v[h, pl.ds(k * LANES, LANES)] = plsc.load_gather(
                rb_v, [rows16, hvec])

    pltpu.sync_copy(s_v, s_out.at[:, pl.ds(base, IDS_PER_WORKER)])
    pltpu.sync_copy(b_v, b_out.at[:, pl.ds(base, IDS_PER_WORKER)])


def _sc_compiler_params():
    cp = pltpu.CompilerParams(use_tc_tiling_on_sc=False)
    if "needs_layout_passes" in pltpu.CompilerParams.__dataclass_fields__:
        cp = dataclasses.replace(cp, needs_layout_passes=False)
    return cp


def _sc_gather(st_rm, bt_rm, idx):
    mesh = plsc.VectorSubcoreMesh(core_axis_name="c", subcore_axis_name="s")
    out = jax.ShapeDtypeStruct((N_HORIZONS, BATCH), jnp.float32)
    kern = pl.kernel(
        _sc_gather_kernel,
        mesh=mesh,
        out_type=(out, out),
        scratch_types=[
            pltpu.VMEM((IDS_PER_WORKER,), jnp.int32),
            pltpu.VMEM((IDS_PER_WORKER, N_HORIZONS), jnp.float32),
            pltpu.VMEM((IDS_PER_WORKER, N_HORIZONS), jnp.float32),
            pltpu.VMEM((N_HORIZONS, IDS_PER_WORKER), jnp.float32),
            pltpu.VMEM((N_HORIZONS, IDS_PER_WORKER), jnp.float32),
            pltpu.SemaphoreType.DMA,
            pltpu.SemaphoreType.DMA,
        ],
        compiler_params=_sc_compiler_params(),
    )
    return kern(st_rm, bt_rm, idx)


def _tc_math_kernel(p_ref, s_ref, b_ref, o_ref):
    eps = 1e-07
    p = jnp.clip(p_ref[...], eps, 1.0 - eps)
    logits = jnp.log(p / (1.0 - p))
    o_ref[...] = jax.nn.sigmoid(logits * s_ref[...] + b_ref[...])


def _tc_math(p2, s2, b2):
    return pl.pallas_call(
        _tc_math_kernel,
        out_shape=jax.ShapeDtypeStruct(p2.shape, jnp.float32),
    )(p2, s2, b2)


@jax.jit
def kernel(probs, user_ids, scale_table, bias_table):
    idx = user_ids.astype(jnp.int32)
    scale_g, bias_g = _sc_gather(scale_table, bias_table, idx)
    out_t = _tc_math(probs.T, scale_g, bias_g)
    return out_t.T

# --- scband reference (transcript-rebuilt; emitter-appended) ---
"""Pipeline reference for scband-personalization-layer-30528627540712 (READ-ONLY COPY).

The authoritative reference and input builder live on the scoring server;
editing this copy changes nothing except your own understanding.
"""

import jax, jax.numpy as jnp
import numpy as np

N_USERS = 1000000
N_HORIZONS = 16
BATCH = 16384

def setup_inputs(seed: int = 0) -> dict:
    key = jax.random.key(seed)
    k1, k2, k3, k4 = jax.random.split(key, 4)
    probs = jax.random.uniform(k1, (BATCH, N_HORIZONS), dtype=jnp.float32)
    user_ids = jax.random.randint(k2, (BATCH,), 0, N_USERS, dtype=jnp.int64)
    # Per-user calibration parameter tables (the 'embedding tables').
    # Scale initialized within scale_bounds (0.5, 2.0); bias small around 0.
    scale_table = jax.random.uniform(k3, (N_USERS, N_HORIZONS), minval=0.5, maxval=2.0, dtype=jnp.float32)
    bias_table = jax.random.normal(k4, (N_USERS, N_HORIZONS), dtype=jnp.float32) * 0.1
    return {"probs": probs, "user_ids": user_ids, "scale_table": scale_table, "bias_table": bias_table}

def reference(probs, user_ids, scale_table, bias_table):
    eps = 1e-07
    p = jnp.clip(probs, eps, 1.0 - eps)
    logits = jnp.log(p / (1.0 - p))
    # Embedding-style gather of per-user calibration params
    scale = jnp.take(scale_table, user_ids, axis=0)  # (BATCH, N_HORIZONS)
    bias = jnp.take(bias_table, user_ids, axis=0)    # (BATCH, N_HORIZONS)
    calibrated_logits = logits * scale + bias
    calibrated_probs = jax.nn.sigmoid(calibrated_logits)
    return calibrated_probs

if __name__ == "__main__":
    import jax
    _d = setup_inputs()
    print(jax.jit(kernel)(*tuple(_d.values())))

</pallas_src>

<mosaic_0001>
#map = affine_map<(d0, d1) -> (0, 0)>
#map1 = affine_map<(d0, d1) -> (0)>
module attributes {stable_mosaic.version = 14 : i64} {
  func.func @_sc_gather_kernel(%arg0: i32, %arg1: i32, %arg2: memref<1000000x16xf32, #tpu.memory_space<hbm>>, %arg3: memref<1000000x16xf32, #tpu.memory_space<hbm>>, %arg4: memref<16384xi32, #tpu.memory_space<hbm>>, %arg5: memref<16x16384xf32, #tpu.memory_space<hbm>>, %arg6: memref<16x16384xf32, #tpu.memory_space<hbm>>, %arg7: memref<512xi32, #tpu.memory_space<vmem>>, %arg8: memref<512x16xf32, #tpu.memory_space<vmem>>, %arg9: memref<512x16xf32, #tpu.memory_space<vmem>>, %arg10: memref<16x512xf32, #tpu.memory_space<vmem>>, %arg11: memref<16x512xf32, #tpu.memory_space<vmem>>, %arg12: memref<!tpu.dma_semaphore, #tpu.memory_space<semaphore_mem>>, %arg13: memref<!tpu.dma_semaphore, #tpu.memory_space<semaphore_mem>>) attributes {dimension_semantics = [#tpu.dimension_semantics<core_parallel>, #tpu.dimension_semantics<subcore_parallel>], iteration_bounds = array<i64: 2, 16>, scalar_prefetch = 0 : i64, scratch_operands = 7 : i64, tpu.core_type = #tpu.core_type<sc_vector_subcore>, window_params = [{transform_indices = #map}, {transform_indices = #map}, {transform_indices = #map1}, {transform_indices = #map}, {transform_indices = #map}]} {
    %mul3A = arith.constant 2 : i32
    %mul3A_0 = arith.muli %arg1, %mul3A : i32
    %add3A = arith.addi %mul3A_0, %arg0 : i32
    %mul3A_1 = arith.constant 512 : i32
    %mul3A_2 = arith.muli %add3A, %mul3A_1 : i32
    "tpu.region"() ({
      %run_scoped3A = tpu.sem_alloc : memref<!tpu.dma_semaphore, #tpu.memory_space<semaphore_mem>>
      %dma_start3A_17 = tpu.memref_slice %arg4[%mul3A_2] : memref<16384xi32, #tpu.memory_space<hbm>> -> memref<512xi32, #tpu.memory_space<hbm>>
      %dma_start3A_18 = tpu.memref_slice %arg4[%mul3A_2] : memref<16384xi32, #tpu.memory_space<hbm>> -> memref<512xi32, #tpu.memory_space<hbm>>
      tpu.enqueue_dma source(%dma_start3A_18 : memref<512xi32, #tpu.memory_space<hbm>>) target(%arg7 : memref<512xi32, #tpu.memory_space<vmem>>) target_semaphore(%run_scoped3A : memref<!tpu.dma_semaphore, #tpu.memory_space<semaphore_mem>>)
      %dma_wait3A_19 = tpu.memref_slice %arg4[%mul3A_2] : memref<16384xi32, #tpu.memory_space<hbm>> -> memref<512xi32, #tpu.memory_space<hbm>>
      %dma_wait3A_20 = tpu.memref_slice %arg4[%mul3A_2] : memref<16384xi32, #tpu.memory_space<hbm>> -> memref<512xi32, #tpu.memory_space<hbm>>
      tpu.wait_dma2 semaphore(%run_scoped3A : memref<!tpu.dma_semaphore, #tpu.memory_space<semaphore_mem>>) src(%dma_wait3A_20 : memref<512xi32, #tpu.memory_space<hbm>>) dst(%arg7 : memref<512xi32, #tpu.memory_space<vmem>>)
      tpu.yield
    }) : () -> ()
    %dma_start3A = arith.constant 0 : i32
    %dma_start3A_3 = arith.constant 0 : i32
    %dma_start3A_4 = tpu.memref_slice %arg2[%dma_start3A, %dma_start3A_3] : memref<1000000x16xf32, #tpu.memory_space<hbm>> -> memref<1000000x16xf32, #tpu.memory_space<hbm>>
    tpu.enqueue_indirect_dma source(%dma_start3A_4 : memref<1000000x16xf32, #tpu.memory_space<hbm>>) target(%arg8 : memref<512x16xf32, #tpu.memory_space<vmem>>) offsets(%arg7 : memref<512xi32, #tpu.memory_space<vmem>>) semaphore(%arg12 : memref<!tpu.dma_semaphore, #tpu.memory_space<semaphore_mem>>)
    %dma_start3A_5 = arith.constant 0 : i32
    %dma_start3A_6 = arith.constant 0 : i32
    %dma_start3A_7 = tpu.memref_slice %arg3[%dma_start3A_5, %dma_start3A_6] : memref<1000000x16xf32, #tpu.memory_space<hbm>> -> memref<1000000x16xf32, #tpu.memory_space<hbm>>
    tpu.enqueue_indirect_dma source(%dma_start3A_7 : memref<1000000x16xf32, #tpu.memory_space<hbm>>) target(%arg9 : memref<512x16xf32, #tpu.memory_space<vmem>>) offsets(%arg7 : memref<512xi32, #tpu.memory_space<vmem>>) semaphore(%arg13 : memref<!tpu.dma_semaphore, #tpu.memory_space<semaphore_mem>>)
    %dma_wait3A = arith.constant 0 : i32
    %dma_wait3A_8 = arith.constant 0 : i32
    %dma_wait3A_9 = tpu.memref_slice %arg2[%dma_wait3A, %dma_wait3A_8] : memref<1000000x16xf32, #tpu.memory_space<hbm>> -> memref<1000000x16xf32, #tpu.memory_space<hbm>>
    tpu.wait_indirect_dma semaphore(%arg12 : memref<!tpu.dma_semaphore, #tpu.memory_space<semaphore_mem>>) src(%dma_wait3A_9 : memref<1000000x16xf32, #tpu.memory_space<hbm>>) dst(%arg8 : memref<512x16xf32, #tpu.memory_space<vmem>>)
    %dma_wait3A_10 = arith.constant 0 : i32
    %dma_wait3A_11 = arith.constant 0 : i32
    %dma_wait3A_12 = tpu.memref_slice %arg3[%dma_wait3A_10, %dma_wait3A_11] : memref<1000000x16xf32, #tpu.memory_space<hbm>> -> memref<1000000x16xf32, #tpu.memory_space<hbm>>
    tpu.wait_indirect_dma semaphore(%arg13 : memref<!tpu.dma_semaphore, #tpu.memory_space<semaphore_mem>>) src(%dma_wait3A_12 : memref<1000000x16xf32, #tpu.memory_space<hbm>>) dst(%arg9 : memref<512x16xf32, #tpu.memory_space<vmem>>)
    %iota3A = tpu.iota {dimensions = array<i32: 0>} : vector<16xi32>
    %scan3A = arith.constant 0 : i32
    %scan3A_13 = arith.constant 32 : i32
    %scan3A_14 = arith.addi %scan3A, %scan3A_13 : i32
    %scan3A_15 = arith.constant 1 : i32
    scf.for %scan3A_17 = %scan3A to %scan3A_14 step %scan3A_15  : i32 {
      %mul3A_18 = arith.constant 1 : i32
      %mul3A_19 = arith.muli %scan3A_17, %mul3A_18 : i32
      %add3A_20 = arith.constant 0 : i32
      %add3A_21 = arith.addi %add3A_20, %mul3A_19 : i32
      %mul3A_22 = arith.constant 16 : i32
      %mul3A_23 = arith.muli %add3A_21, %mul3A_22 : i32
      %add3A_24 = vector.broadcast %mul3A_23 : i32 to vector<16xi32>
      %add3A_25 = arith.addi %iota3A, %add3A_24 : vector<16xi32>
      %broadcast_in_dim3A = arith.constant 0 : i32
      %broadcast_in_dim3A_26 = vector.broadcast %broadcast_in_dim3A : i32 to vector<16xi32>
      %gather3A = tpu.vector_load_idx %arg8[%add3A_25, %broadcast_in_dim3A_26] : memref<512x16xf32, #tpu.memory_space<vmem>>[vector<16xi32>, vector<16xi32>], vector<16xf32>,
      %mul3A_27 = arith.constant 16 : i32
      %mul3A_28 = arith.muli %add3A_21, %mul3A_27 : i32
      %swap3A = arith.constant 0 : i32
      %swap3A_29 = arith.index_cast %swap3A : i32 to index
      %swap3A_30 = arith.index_cast %mul3A_28 : i32 to index
      %swap3A_31 = tpu.vector_load %arg10[%swap3A_29, %swap3A_30] {strides = array<i32>} : memref<16x512xf32, #tpu.memory_space<vmem>>, vector<16xf32>,
      tpu.vector_store %arg10[%swap3A_29, %swap3A_30], %gather3A {strides = array<i32>} : memref<16x512xf32, #tpu.memory_space<vmem>>, vector<16xf32>,
      %gather3A_32 = tpu.vector_load_idx %arg9[%add3A_25, %broadcast_in_dim3A_26] : memref<512x16xf32, #tpu.memory_space<vmem>>[vector<16xi32>, vector<16xi32>], vector<16xf32>,
      %mul3A_33 = arith.constant 16 : i32
      %mul3A_34 = arith.muli %add3A_21, %mul3A_33 : i32
      %swap3A_35 = arith.constant 0 : i32
      %swap3A_36 = arith.index_cast %swap3A_35 : i32 to index
      %swap3A_37 = arith.index_cast %mul3A_34 : i32 to index
      %swap3A_38 = tpu.vector_load %arg11[%swap3A_36, %swap3A_37] {strides = array<i32>} : memref<16x512xf32, #tpu.memory_space<vmem>>, vector<16xf32>,
      tpu.vector_store %arg11[%swap3A_36, %swap3A_37], %gather3A_32 {strides = array<i32>} : memref<16x512xf32, #tpu.memory_space<vmem>>, vector<16xf32>,
      %broadcast_in_dim3A_39 = arith.constant 1 : i32
      %broadcast_in_dim3A_40 = vector.broadcast %broadcast_in_dim3A_39 : i32 to vector<16xi32>
      %gather3A_41 = tpu.vector_load_idx %arg8[%add3A_25, %broadcast_in_dim3A_40] : memref<512x16xf32, #tpu.memory_space<vmem>>[vector<16xi32>, vector<16xi32>], vector<16xf32>,
      %mul3A_42 = arith.constant 16 : i32
      %mul3A_43 = arith.muli %add3A_21, %mul3A_42 : i32
      %swap3A_44 = arith.constant 1 : i32
      %swap3A_45 = arith.index_cast %swap3A_44 : i32 to index
      %swap3A_46 = arith.index_cast %mul3A_43 : i32 to index
      %swap3A_47 = tpu.vector_load %arg10[%swap3A_45, %swap3A_46] {strides = array<i32>} : memref<16x512xf32, #tpu.memory_space<vmem>>, vector<16xf32>,
      tpu.vector_store %arg10[%swap3A_45, %swap3A_46], %gather3A_41 {strides = array<i32>} : memref<16x512xf32, #tpu.memory_space<vmem>>, vector<16xf32>,
      %gather3A_48 = tpu.vector_load_idx %arg9[%add3A_25, %broadcast_in_dim3A_40] : memref<512x16xf32, #tpu.memory_space<vmem>>[vector<16xi32>, vector<16xi32>], vector<16xf32>,
      %mul3A_49 = arith.constant 16 : i32
      %mul3A_50 = arith.muli %add3A_21, %mul3A_49 : i32
      %swap3A_51 = arith.constant 1 : i32
      %swap3A_52 = arith.index_cast %swap3A_51 : i32 to index
      %swap3A_53 = arith.index_cast %mul3A_50 : i32 to index
      %swap3A_54 = tpu.vector_load %arg11[%swap3A_52, %swap3A_53] {strides = array<i32>} : memref<16x512xf32, #tpu.memory_space<vmem>>, vector<16xf32>,
      tpu.vector_store %arg11[%swap3A_52, %swap3A_53], %gather3A_48 {strides = array<i32>} : memref<16x512xf32, #tpu.memory_space<vmem>>, vector<16xf32>,
      %broadcast_in_dim3A_55 = arith.constant 2 : i32
      %broadcast_in_dim3A_56 = vector.broadcast %broadcast_in_dim3A_55 : i32 to vector<16xi32>
      %gather3A_57 = tpu.vector_load_idx %arg8[%add3A_25, %broadcast_in_dim3A_56] : memref<512x16xf32, #tpu.memory_space<vmem>>[vector<16xi32>, vector<16xi32>], vector<16xf32>,
      %mul3A_58 = arith.constant 16 : i32
      %mul3A_59 = arith.muli %add3A_21, %mul3A_58 : i32
      %swap3A_60 = arith.constant 2 : i32
      %swap3A_61 = arith.index_cast %swap3A_60 : i32 to index
      %swap3A_62 = arith.index_cast %mul3A_59 : i32 to index
      %swap3A_63 = tpu.vector_load %arg10[%swap3A_61, %swap3A_62] {strides = array<i32>} : memref<16x512xf32, #tpu.memory_space<vmem>>, vector<16xf32>,
      tpu.vector_store %arg10[%swap3A_61, %swap3A_62], %gather3A_57 {strides = array<i32>} : memref<16x512xf32, #tpu.memory_space<vmem>>, vector<16xf32>,
      %gather3A_64 = tpu.vector_load_idx %arg9[%add3A_25, %broadcast_in_dim3A_56] : memref<512x16xf32, #tpu.memory_space<vmem>>[vector<16xi32>, vector<16xi32>], vector<16xf32>,
      %mul3A_65 = arith.constant 16 : i32
      %mul3A_66 = arith.muli %add3A_21, %mul3A_65 : i32
      %swap3A_67 = arith.constant 2 : i32
      %swap3A_68 = arith.index_cast %swap3A_67 : i32 to index
      %swap3A_69 = arith.index_cast %mul3A_66 : i32 to index
      %swap3A_70 = tpu.vector_load %arg11[%swap3A_68, %swap3A_69] {strides = array<i32>} : memref<16x512xf32, #tpu.memory_space<vmem>>, vector<16xf32>,
      tpu.vector_store %arg11[%swap3A_68, %swap3A_69], %gather3A_64 {strides = array<i32>} : memref<16x512xf32, #tpu.memory_space<vmem>>, vector<16xf32>,
      %broadcast_in_dim3A_71 = arith.constant 3 : i32
      %broadcast_in_dim3A_72 = vector.broadcast %broadcast_in_dim3A_71 : i32 to vector<16xi32>
      %gather3A_73 = tpu.vector_load_idx %arg8[%add3A_25, %broadcast_in_dim3A_72] : memref<512x16xf32, #tpu.memory_space<vmem>>[vector<16xi32>, vector<16xi32>], vector<16xf32>,
      %mul3A_74 = arith.constant 16 : i32
      %mul3A_75 = arith.muli %add3A_21, %mul3A_74 : i32
      %swap3A_76 = arith.constant 3 : i32
      %swap3A_77 = arith.index_cast %swap3A_76 : i32 to index
      %swap3A_78 = arith.index_cast %mul3A_75 : i32 to index
      %swap3A_79 = tpu.vector_load %arg10[%swap3A_77, %swap3A_78] {strides = array<i32>} : memref<16x512xf32, #tpu.memory_space<vmem>>, vector<16xf32>,
      tpu.vector_store %arg10[%swap3A_77, %swap3A_78], %gather3A_73 {strides = array<i32>} : memref<16x512xf32, #tpu.memory_space<vmem>>, vector<16xf32>,
      %gather3A_80 = tpu.vector_load_idx %arg9[%add3A_25, %broadcast_in_dim3A_72] : memref<512x16xf32, #tpu.memory_space<vmem>>[vector<16xi32>, vector<16xi32>], vector<16xf32>,
      %mul3A_81 = arith.constant 16 : i32
      %mul3A_82 = arith.muli %add3A_21, %mul3A_81 : i32
      %swap3A_83 = arith.constant 3 : i32
      %swap3A_84 = arith.index_cast %swap3A_83 : i32 to index
      %swap3A_85 = arith.index_cast %mul3A_82 : i32 to index
      %swap3A_86 = tpu.vector_load %arg11[%swap3A_84, %swap3A_85] {strides = array<i32>} : memref<16x512xf32, #tpu.memory_space<vmem>>, vector<16xf32>,
      tpu.vector_store %arg11[%swap3A_84, %swap3A_85], %gather3A_80 {strides = array<i32>} : memref<16x512xf32, #tpu.memory_space<vmem>>, vector<16xf32>,
      %broadcast_in_dim3A_87 = arith.constant 4 : i32
      %broadcast_in_dim3A_88 = vector.broadcast %broadcast_in_dim3A_87 : i32 to vector<16xi32>
      %gather3A_89 = tpu.vector_load_idx %arg8[%add3A_25, %broadcast_in_dim3A_88] : memref<512x16xf32, #tpu.memory_space<vmem>>[vector<16xi32>, vector<16xi32>], vector<16xf32>,
      %mul3A_90 = arith.constant 16 : i32
      %mul3A_91 = arith.muli %add3A_21, %mul3A_90 : i32
      %swap3A_92 = arith.constant 4 : i32
      %swap3A_93 = arith.index_cast %swap3A_92 : i32 to index
      %swap3A_94 = arith.index_cast %mul3A_91 : i32 to index
      %swap3A_95 = tpu.vector_load %arg10[%swap3A_93, %swap3A_94] {strides = array<i32>} : memref<16x512xf32, #tpu.memory_space<vmem>>, vector<16xf32>,
      tpu.vector_store %arg10[%swap3A_93, %swap3A_94], %gather3A_89 {strides = array<i32>} : memref<16x512xf32, #tpu.memory_space<vmem>>, vector<16xf32>,
      %gather3A_96 = tpu.vector_load_idx %arg9[%add3A_25, %broadcast_in_dim3A_88] : memref<512x16xf32, #tpu.memory_space<vmem>>[vector<16xi32>, vector<16xi32>], vector<16xf32>,
      %mul3A_97 = arith.constant 16 : i32
      %mul3A_98 = arith.muli %add3A_21, %mul3A_97 : i32
      %swap3A_99 = arith.constant 4 : i32
      %swap3A_100 = arith.index_cast %swap3A_99 : i32 to index
      %swap3A_101 = arith.index_cast %mul3A_98 : i32 to index
      %swap3A_102 = tpu.vector_load %arg11[%swap3A_100, %swap3A_101] {strides = array<i32>} : memref<16x512xf32, #tpu.memory_space<vmem>>, vector<16xf32>,
      tpu.vector_store %arg11[%swap3A_100, %swap3A_101], %gather3A_96 {strides = array<i32>} : memref<16x512xf32, #tpu.memory_space<vmem>>, vector<16xf32>,
      %broadcast_in_dim3A_103 = arith.constant 5 : i32
      %broadcast_in_dim3A_104 = vector.broadcast %broadcast_in_dim3A_103 : i32 to vector<16xi32>
      %gather3A_105 = tpu.vector_load_idx %arg8[%add3A_25, %broadcast_in_dim3A_104] : memref<512x16xf32, #tpu.memory_space<vmem>>[vector<16xi32>, vector<16xi32>], vector<16xf32>,
      %mul3A_106 = arith.constant 16 : i32
      %mul3A_107 = arith.muli %add3A_21, %mul3A_106 : i32
      %swap3A_108 = arith.constant 5 : i32
      %swap3A_109 = arith.index_cast %swap3A_108 : i32 to index
      %swap3A_110 = arith.index_cast %mul3A_107 : i32 to index
      %swap3A_111 = tpu.vector_load %arg10[%swap3A_109, %swap3A_110] {strides = array<i32>} : memref<16x512xf32, #tpu.memory_space<vmem>>, vector<16xf32>,
      tpu.vector_store %arg10[%swap3A_109, %swap3A_110], %gather3A_105 {strides = array<i32>} : memref<16x512xf32, #tpu.memory_space<vmem>>, vector<16xf32>,
      %gather3A_112 = tpu.vector_load_idx %arg9[%add3A_25, %broadcast_in_dim3A_104] : memref<512x16xf32, #tpu.memory_space<vmem>>[vector<16xi32>, vector<16xi32>], vector<16xf32>,
      %mul3A_113 = arith.constant 16 : i32
      %mul3A_114 = arith.muli %add3A_21, %mul3A_113 : i32
      %swap3A_115 = arith.constant 5 : i32
      %swap3A_116 = arith.index_cast %swap3A_115 : i32 to index
      %swap3A_117 = arith.index_cast %mul3A_114 : i32 to index
      %swap3A_118 = tpu.vector_load %arg11[%swap3A_116, %swap3A_117] {strides = array<i32>} : memref<16x512xf32, #tpu.memory_space<vmem>>, vector<16xf32>,
      tpu.vector_store %arg11[%swap3A_116, %swap3A_117], %gather3A_112 {strides = array<i32>} : memref<16x512xf32, #tpu.memory_space<vmem>>, vector<16xf32>,
      %broadcast_in_dim3A_119 = arith.constant 6 : i32
      %broadcast_in_dim3A_120 = vector.broadcast %broadcast_in_dim3A_119 : i32 to vector<16xi32>
      %gather3A_121 = tpu.vector_load_idx %arg8[%add3A_25, %broadcast_in_dim3A_120] : memref<512x16xf32, #tpu.memory_space<vmem>>[vector<16xi32>, vector<16xi32>], vector<16xf32>,
      %mul3A_122 = arith.constant 16 : i32
      %mul3A_123 = arith.muli %add3A_21, %mul3A_122 : i32
      %swap3A_124 = arith.constant 6 : i32
      %swap3A_125 = arith.index_cast %swap3A_124 : i32 to index
      %swap3A_126 = arith.index_cast %mul3A_123 : i32 to index
      %swap3A_127 = tpu.vector_load %arg10[%swap3A_125, %swap3A_126] {strides = array<i32>} : memref<16x512xf32, #tpu.memory_space<vmem>>, vector<16xf32>,
      tpu.vector_store %arg10[%swap3A_125, %swap3A_126], %gather3A_121 {strides = array<i32>} : memref<16x512xf32, #tpu.memory_space<vmem>>, vector<16xf32>,
      %gather3A_128 = tpu.vector_load_idx %arg9[%add3A_25, %broadcast_in_dim3A_120] : memref<512x16xf32, #tpu.memory_space<vmem>>[vector<16xi32>, vector<16xi32>], vector<16xf32>,
      %mul3A_129 = arith.constant 16 : i32
      %mul3A_130 = arith.muli %add3A_21, %mul3A_129 : i32
      %swap3A_131 = arith.constant 6 : i32
      %swap3A_132 = arith.index_cast %swap3A_131 : i32 to index
      %swap3A_133 = arith.index_cast %mul3A_130 : i32 to index
      %swap3A_134 = tpu.vector_load %arg11[%swap3A_132, %swap3A_133] {strides = array<i32>} : memref<16x512xf32, #tpu.memory_space<vmem>>, vector<16xf32>,
      tpu.vector_store %arg11[%swap3A_132, %swap3A_133], %gather3A_128 {strides = array<i32>} : memref<16x512xf32, #tpu.memory_space<vmem>>, vector<16xf32>,
      %broadcast_in_dim3A_135 = arith.constant 7 : i32
      %broadcast_in_dim3A_136 = vector.broadcast %broadcast_in_dim3A_135 : i32 to vector<16xi32>
      %gather3A_137 = tpu.vector_load_idx %arg8[%add3A_25, %broadcast_in_dim3A_136] : memref<512x16xf32, #tpu.memory_space<vmem>>[vector<16xi32>, vector<16xi32>], vector<16xf32>,
      %mul3A_138 = arith.constant 16 : i32
      %mul3A_139 = arith.muli %add3A_21, %mul3A_138 : i32
      %swap3A_140 = arith.constant 7 : i32
      %swap3A_141 = arith.index_cast %swap3A_140 : i32 to index
      %swap3A_142 = arith.index_cast %mul3A_139 : i32 to index
      %swap3A_143 = tpu.vector_load %arg10[%swap3A_141, %swap3A_142] {strides = array<i32>} : memref<16x512xf32, #tpu.memory_space<vmem>>, vector<16xf32>,
      tpu.vector_store %arg10[%swap3A_141, %swap3A_142], %gather3A_137 {strides = array<i32>} : memref<16x512xf32, #tpu.memory_space<vmem>>, vector<16xf32>,
      %gather3A_144 = tpu.vector_load_idx %arg9[%add3A_25, %broadcast_in_dim3A_136] : memref<512x16xf32, #tpu.memory_space<vmem>>[vector<16xi32>, vector<16xi32>], vector<16xf32>,
      %mul3A_145 = arith.constant 16 : i32
      %mul3A_146 = arith.muli %add3A_21, %mul3A_145 : i32
      %swap3A_147 = arith.constant 7 : i32
      %swap3A_148 = arith.index_cast %swap3A_147 : i32 to index
      %swap3A_149 = arith.index_cast %mul3A_146 : i32 to index
      %swap3A_150 = tpu.vector_load %arg11[%swap3A_148, %swap3A_149] {strides = array<i32>} : memref<16x512xf32, #tpu.memory_space<vmem>>, vector<16xf32>,
      tpu.vector_store %arg11[%swap3A_148, %swap3A_149], %gather3A_144 {strides = array<i32>} : memref<16x512xf32, #tpu.memory_space<vmem>>, vector<16xf32>,
      %broadcast_in_dim3A_151 = arith.constant 8 : i32
      %broadcast_in_dim3A_152 = vector.broadcast %broadcast_in_dim3A_151 : i32 to vector<16xi32>
      %gather3A_153 = tpu.vector_load_idx %arg8[%add3A_25, %broadcast_in_dim3A_152] : memref<512x16xf32, #tpu.memory_space<vmem>>[vector<16xi32>, vector<16xi32>], vector<16xf32>,
      %mul3A_154 = arith.constant 16 : i32
      %mul3A_155 = arith.muli %add3A_21, %mul3A_154 : i32
      %swap3A_156 = arith.constant 8 : i32
      %swap3A_157 = arith.index_cast %swap3A_156 : i32 to index
      %swap3A_158 = arith.index_cast %mul3A_155 : i32 to index
      %swap3A_159 = tpu.vector_load %arg10[%swap3A_157, %swap3A_158] {strides = array<i32>} : memref<16x512xf32, #tpu.memory_space<vmem>>, vector<16xf32>,
      tpu.vector_store %arg10[%swap3A_157, %swap3A_158], %gather3A_153 {strides = array<i32>} : memref<16x512xf32, #tpu.memory_space<vmem>>, vector<16xf32>,
      %gather3A_160 = tpu.vector_load_idx %arg9[%add3A_25, %broadcast_in_dim3A_152] : memref<512x16xf32, #tpu.memory_space<vmem>>[vector<16xi32>, vector<16xi32>], vector<16xf32>,
      %mul3A_161 = arith.constant 16 : i32
      %mul3A_162 = arith.muli %add3A_21, %mul3A_161 : i32
      %swap3A_163 = arith.constant 8 : i32
      %swap3A_164 = arith.index_cast %swap3A_163 : i32 to index
      %swap3A_165 = arith.index_cast %mul3A_162 : i32 to index
      %swap3A_166 = tpu.vector_load %arg11[%swap3A_164, %swap3A_165] {strides = array<i32>} : memref<16x512xf32, #tpu.memory_space<vmem>>, vector<16xf32>,
      tpu.vector_store %arg11[%swap3A_164, %swap3A_165], %gather3A_160 {strides = array<i32>} : memref<16x512xf32, #tpu.memory_space<vmem>>, vector<16xf32>,
      %broadcast_in_dim3A_167 = arith.constant 9 : i32
      %broadcast_in_dim3A_168 = vector.broadcast %broadcast_in_dim3A_167 : i32 to vector<16xi32>
      %gather3A_169 = tpu.vector_load_idx %arg8[%add3A_25, %broadcast_in_dim3A_168] : memref<512x16xf32, #tpu.memory_space<vmem>>[vector<16xi32>, vector<16xi32>], vector<16xf32>,
      %mul3A_170 = arith.constant 16 : i32
      %mul3A_171 = arith.muli %add3A_21, %mul3A_170 : i32
      %swap3A_172 = arith.constant 9 : i32
      %swap3A_173 = arith.index_cast %swap3A_172 : i32 to index
      %swap3A_174 = arith.index_cast %mul3A_171 : i32 to index
      %swap3A_175 = tpu.vector_load %arg10[%swap3A_173, %swap3A_174] {strides = array<i32>} : memref<16x512xf32, #tpu.memory_space<vmem>>, vector<16xf32>,
      tpu.vector_store %arg10[%swap3A_173, %swap3A_174], %gather3A_169 {strides = array<i32>} : memref<16x512xf32, #tpu.memory_space<vmem>>, vector<16xf32>,
      %gather3A_176 = tpu.vector_load_idx %arg9[%add3A_25, %broadcast_in_dim3A_168] : memref<512x16xf32, #tpu.memory_space<vmem>>[vector<16xi32>, vector<16xi32>], vector<16xf32>,
      %mul3A_177 = arith.constant 16 : i32
      %mul3A_178 = arith.muli %add3A_21, %mul3A_177 : i32
      %swap3A_179 = arith.constant 9 : i32
      %swap3A_180 = arith.index_cast %swap3A_179 : i32 to index
      %swap3A_181 = arith.index_cast %mul3A_178 : i32 to index
      %swap3A_182 = tpu.vector_load %arg11[%swap3A_180, %swap3A_181] {strides = array<i32>} : memref<16x512xf32, #tpu.memory_space<vmem>>, vector<16xf32>,
      tpu.vector_store %arg11[%swap3A_180, %swap3A_181], %gather3A_176 {strides = array<i32>} : memref<16x512xf32, #tpu.memory_space<vmem>>, vector<16xf32>,
      %broadcast_in_dim3A_183 = arith.constant 10 : i32
      %broadcast_in_dim3A_184 = vector.broadcast %broadcast_in_dim3A_183 : i32 to vector<16xi32>
      %gather3A_185 = tpu.vector_load_idx %arg8[%add3A_25, %broadcast_in_dim3A_184] : memref<512x16xf32, #tpu.memory_space<vmem>>[vector<16xi32>, vector<16xi32>], vector<16xf32>,
      %mul3A_186 = arith.constant 16 : i32
      %mul3A_187 = arith.muli %add3A_21, %mul3A_186 : i32
      %swap3A_188 = arith.constant 10 : i32
      %swap3A_189 = arith.index_cast %swap3A_188 : i32 to index
      %swap3A_190 = arith.index_cast %mul3A_187 : i32 to index
      %swap3A_191 = tpu.vector_load %arg10[%swap3A_189, %swap3A_190] {strides = array<i32>} : memref<16x512xf32, #tpu.memory_space<vmem>>, vector<16xf32>,
      tpu.vector_store %arg10[%swap3A_189, %swap3A_190], %gather3A_185 {strides = array<i32>} : memref<16x512xf32, #tpu.memory_space<vmem>>, vector<16xf32>,
      %gather3A_192 = tpu.vector_load_idx %arg9[%add3A_25, %broadcast_in_dim3A_184] : memref<512x16xf32, #tpu.memory_space<vmem>>[vector<16xi32>, vector<16xi32>], vector<16xf32>,
      %mul3A_193 = arith.constant 16 : i32
      %mul3A_194 = arith.muli %add3A_21, %mul3A_193 : i32
      %swap3A_195 = arith.constant 10 : i32
      %swap3A_196 = arith.index_cast %swap3A_195 : i32 to index
      %swap3A_197 = arith.index_cast %mul3A_194 : i32 to index
      %swap3A_198 = tpu.vector_load %arg11[%swap3A_196, %swap3A_197] {strides = array<i32>} : memref<16x512xf32, #tpu.memory_space<vmem>>, vector<16xf32>,
      tpu.vector_store %arg11[%swap3A_196, %swap3A_197], %gather3A_192 {strides = array<i32>} : memref<16x512xf32, #tpu.memory_space<vmem>>, vector<16xf32>,
      %broadcast_in_dim3A_199 = arith.constant 11 : i32
      %broadcast_in_dim3A_200 = vector.broadcast %broadcast_in_dim3A_199 : i32 to vector<16xi32>
      %gather3A_201 = tpu.vector_load_idx %arg8[%add3A_25, %broadcast_in_dim3A_200] : memref<512x16xf32, #tpu.memory_space<vmem>>[vector<16xi32>, vector<16xi32>], vector<16xf32>,
      %mul3A_202 = arith.constant 16 : i32
      %mul3A_203 = arith.muli %add3A_21, %mul3A_202 : i32
      %swap3A_204 = arith.constant 11 : i32
      %swap3A_205 = arith.index_cast %swap3A_204 : i32 to index
      %swap3A_206 = arith.index_cast %mul3A_203 : i32 to index
      %swap3A_207 = tpu.vector_load %arg10[%swap3A_205, %swap3A_206] {strides = array<i32>} : memref<16x512xf32, #tpu.memory_space<vmem>>, vector<16xf32>,
      tpu.vector_store %arg10[%swap3A_205, %swap3A_206], %gather3A_201 {strides = array<i32>} : memref<16x512xf32, #tpu.memory_space<vmem>>, vector<16xf32>,
      %gather3A_208 = tpu.vector_load_idx %arg9[%add3A_25, %broadcast_in_dim3A_200] : memref<512x16xf32, #tpu.memory_space<vmem>>[vector<16xi32>, vector<16xi32>], vector<16xf32>,
      %mul3A_209 = arith.constant 16 : i32
      %mul3A_210 = arith.muli %add3A_21, %mul3A_209 : i32
      %swap3A_211 = arith.constant 11 : i32
      %swap3A_212 = arith.index_cast %swap3A_211 : i32 to index
      %swap3A_213 = arith.index_cast %mul3A_210 : i32 to index
      %swap3A_214 = tpu.vector_load %arg11[%swap3A_212, %swap3A_213] {strides = array<i32>} : memref<16x512xf32, #tpu.memory_space<vmem>>, vector<16xf32>,
      tpu.vector_store %arg11[%swap3A_212, %swap3A_213], %gather3A_208 {strides = array<i32>} : memref<16x512xf32, #tpu.memory_space<vmem>>, vector<16xf32>,
      %broadcast_in_dim3A_215 = arith.constant 12 : i32
      %broadcast_in_dim3A_216 = vector.broadcast %broadcast_in_dim3A_215 : i32 to vector<16xi32>
      %gather3A_217 = tpu.vector_load_idx %arg8[%add3A_25, %broadcast_in_dim3A_216] : memref<512x16xf32, #tpu.memory_space<vmem>>[vector<16xi32>, vector<16xi32>], vector<16xf32>,
      %mul3A_218 = arith.constant 16 : i32
      %mul3A_219 = arith.muli %add3A_21, %mul3A_218 : i32
      %swap3A_220 = arith.constant 12 : i32
      %swap3A_221 = arith.index_cast %swap3A_220 : i32 to index
      %swap3A_222 = arith.index_cast %mul3A_219 : i32 to index
      %swap3A_223 = tpu.vector_load %arg10[%swap3A_221, %swap3A_222] {strides = array<i32>} : memref<16x512xf32, #tpu.memory_space<vmem>>, vector<16xf32>,
      tpu.vector_store %arg10[%swap3A_221, %swap3A_222], %gather3A_217 {strides = array<i32>} : memref<16x512xf32, #tpu.memory_space<vmem>>, vector<16xf32>,
      %gather3A_224 = tpu.vector_load_idx %arg9[%add3A_25, %broadcast_in_dim3A_216] : memref<512x16xf32, #tpu.memory_space<vmem>>[vector<16xi32>, vector<16xi32>], vector<16xf32>,
      %mul3A_225 = arith.constant 16 : i32
      %mul3A_226 = arith.muli %add3A_21, %mul3A_225 : i32
      %swap3A_227 = arith.constant 12 : i32
      %swap3A_228 = arith.index_cast %swap3A_227 : i32 to index
      %swap3A_229 = arith.index_cast %mul3A_226 : i32 to index
      %swap3A_230 = tpu.vector_load %arg11[%swap3A_228, %swap3A_229] {strides = array<i32>} : memref<16x512xf32, #tpu.memory_space<vmem>>, vector<16xf32>,
      tpu.vector_store %arg11[%swap3A_228, %swap3A_229], %gather3A_224 {strides = array<i32>} : memref<16x512xf32, #tpu.memory_space<vmem>>, vector<16xf32>,
      %broadcast_in_dim3A_231 = arith.constant 13 : i32
      %broadcast_in_dim3A_232 = vector.broadcast %broadcast_in_dim3A_231 : i32 to vector<16xi32>
      %gather3A_233 = tpu.vector_load_idx %arg8[%add3A_25, %broadcast_in_dim3A_232] : memref<512x16xf32, #tpu.memory_space<vmem>>[vector<16xi32>, vector<16xi32>], vector<16xf32>,
      %mul3A_234 = arith.constant 16 : i32
      %mul3A_235 = arith.muli %add3A_21, %mul3A_234 : i32
      %swap3A_236 = arith.constant 13 : i32
      %swap3A_237 = arith.index_cast %swap3A_236 : i32 to index
      %swap3A_238 = arith.index_cast %mul3A_235 : i32 to index
      %swap3A_239 = tpu.vector_load %arg10[%swap3A_237, %swap3A_238] {strides = array<i32>} : memref<16x512xf32, #tpu.memory_space<vmem>>, vector<16xf32>,
      tpu.vector_store %arg10[%swap3A_237, %swap3A_238], %gather3A_233 {strides = array<i32>} : memref<16x512xf32, #tpu.memory_space<vmem>>, vector<16xf32>,
      %gather3A_240 = tpu.vector_load_idx %arg9[%add3A_25, %broadcast_in_dim3A_232] : memref<512x16xf32, #tpu.memory_space<vmem>>[vector<16xi32>, vector<16xi32>], vector<16xf32>,
      %mul3A_241 = arith.constant 16 : i32
      %mul3A_242 = arith.muli %add3A_21, %mul3A_241 : i32
      %swap3A_243 = arith.constant 13 : i32
      %swap3A_244 = arith.index_cast %swap3A_243 : i32 to index
      %swap3A_245 = arith.index_cast %mul3A_242 : i32 to index
      %swap3A_246 = tpu.vector_load %arg11[%swap3A_244, %swap3A_245] {strides = array<i32>} : memref<16x512xf32, #tpu.memory_space<vmem>>, vector<16xf32>,
      tpu.vector_store %arg11[%swap3A_244, %swap3A_245], %gather3A_240 {strides = array<i32>} : memref<16x512xf32, #tpu.memory_space<vmem>>, vector<16xf32>,
      %broadcast_in_dim3A_247 = arith.constant 14 : i32
      %broadcast_in_dim3A_248 = vector.broadcast %broadcast_in_dim3A_247 : i32 to vector<16xi32>
      %gather3A_249 = tpu.vector_load_idx %arg8[%add3A_25, %broadcast_in_dim3A_248] : memref<512x16xf32, #tpu.memory_space<vmem>>[vector<16xi32>, vector<16xi32>], vector<16xf32>,
      %mul3A_250 = arith.constant 16 : i32
      %mul3A_251 = arith.muli %add3A_21, %mul3A_250 : i32
      %swap3A_252 = arith.constant 14 : i32
      %swap3A_253 = arith.index_cast %swap3A_252 : i32 to index
      %swap3A_254 = arith.index_cast %mul3A_251 : i32 to index
      %swap3A_255 = tpu.vector_load %arg10[%swap3A_253, %swap3A_254] {strides = array<i32>} : memref<16x512xf32, #tpu.memory_space<vmem>>, vector<16xf32>,
      tpu.vector_store %arg10[%swap3A_253, %swap3A_254], %gather3A_249 {strides = array<i32>} : memref<16x512xf32, #tpu.memory_space<vmem>>, vector<16xf32>,
      %gather3A_256 = tpu.vector_load_idx %arg9[%add3A_25, %broadcast_in_dim3A_248] : memref<512x16xf32, #tpu.memory_space<vmem>>[vector<16xi32>, vector<16xi32>], vector<16xf32>,
      %mul3A_257 = arith.constant 16 : i32
      %mul3A_258 = arith.muli %add3A_21, %mul3A_257 : i32
      %swap3A_259 = arith.constant 14 : i32
      %swap3A_260 = arith.index_cast %swap3A_259 : i32 to index
      %swap3A_261 = arith.index_cast %mul3A_258 : i32 to index
      %swap3A_262 = tpu.vector_load %arg11[%swap3A_260, %swap3A_261] {strides = array<i32>} : memref<16x512xf32, #tpu.memory_space<vmem>>, vector<16xf32>,
      tpu.vector_store %arg11[%swap3A_260, %swap3A_261], %gather3A_256 {strides = array<i32>} : memref<16x512xf32, #tpu.memory_space<vmem>>, vector<16xf32>,
      %broadcast_in_dim3A_263 = arith.constant 15 : i32
      %broadcast_in_dim3A_264 = vector.broadcast %broadcast_in_dim3A_263 : i32 to vector<16xi32>
      %gather3A_265 = tpu.vector_load_idx %arg8[%add3A_25, %broadcast_in_dim3A_264] : memref<512x16xf32, #tpu.memory_space<vmem>>[vector<16xi32>, vector<16xi32>], vector<16xf32>,
      %mul3A_266 = arith.constant 16 : i32
      %mul3A_267 = arith.muli %add3A_21, %mul3A_266 : i32
      %swap3A_268 = arith.constant 15 : i32
      %swap3A_269 = arith.index_cast %swap3A_268 : i32 to index
      %swap3A_270 = arith.index_cast %mul3A_267 : i32 to index
      %swap3A_271 = tpu.vector_load %arg10[%swap3A_269, %swap3A_270] {strides = array<i32>} : memref<16x512xf32, #tpu.memory_space<vmem>>, vector<16xf32>,
      tpu.vector_store %arg10[%swap3A_269, %swap3A_270], %gather3A_265 {strides = array<i32>} : memref<16x512xf32, #tpu.memory_space<vmem>>, vector<16xf32>,
      %gather3A_272 = tpu.vector_load_idx %arg9[%add3A_25, %broadcast_in_dim3A_264] : memref<512x16xf32, #tpu.memory_space<vmem>>[vector<16xi32>, vector<16xi32>], vector<16xf32>,
      %mul3A_273 = arith.constant 16 : i32
      %mul3A_274 = arith.muli %add3A_21, %mul3A_273 : i32
      %swap3A_275 = arith.constant 15 : i32
      %swap3A_276 = arith.index_cast %swap3A_275 : i32 to index
      %swap3A_277 = arith.index_cast %mul3A_274 : i32 to index
      %swap3A_278 = tpu.vector_load %arg11[%swap3A_276, %swap3A_277] {strides = array<i32>} : memref<16x512xf32, #tpu.memory_space<vmem>>, vector<16xf32>,
      tpu.vector_store %arg11[%swap3A_276, %swap3A_277], %gather3A_272 {strides = array<i32>} : memref<16x512xf32, #tpu.memory_space<vmem>>, vector<16xf32>,
    }
    %scan3A_16 = arith.constant 32 : i32
    "tpu.region"() ({
      %run_scoped3A = tpu.sem_alloc : memref<!tpu.dma_semaphore, #tpu.memory_space<semaphore_mem>>
      %dma_start3A_17 = arith.constant 0 : i32
      %dma_start3A_18 = tpu.memref_slice %arg5[%dma_start3A_17, %mul3A_2] : memref<16x16384xf32, #tpu.memory_space<hbm>> -> memref<16x512xf32, #tpu.memory_space<hbm>>
      %dma_start3A_19 = arith.constant 0 : i32
      %dma_start3A_20 = tpu.memref_slice %arg5[%dma_start3A_19, %mul3A_2] : memref<16x16384xf32, #tpu.memory_space<hbm>> -> memref<16x512xf32, #tpu.memory_space<hbm>>
      tpu.enqueue_dma source(%arg10 : memref<16x512xf32, #tpu.memory_space<vmem>>) target(%dma_start3A_20 : memref<16x512xf32, #tpu.memory_space<hbm>>) target_semaphore(%run_scoped3A : memref<!tpu.dma_semaphore, #tpu.memory_space<semaphore_mem>>)
      %dma_wait3A_21 = arith.constant 0 : i32
      %dma_wait3A_22 = tpu.memref_slice %arg5[%dma_wait3A_21, %mul3A_2] : memref<16x16384xf32, #tpu.memory_space<hbm>> -> memref<16x512xf32, #tpu.memory_space<hbm>>
      %dma_wait3A_23 = arith.constant 0 : i32
      %dma_wait3A_24 = tpu.memref_slice %arg5[%dma_wait3A_23, %mul3A_2] : memref<16x16384xf32, #tpu.memory_space<hbm>> -> memref<16x512xf32, #tpu.memory_space<hbm>>
      tpu.wait_dma2 semaphore(%run_scoped3A : memref<!tpu.dma_semaphore, #tpu.memory_space<semaphore_mem>>) src(%arg10 : memref<16x512xf32, #tpu.memory_space<vmem>>) dst(%dma_wait3A_24 : memref<16x512xf32, #tpu.memory_space<hbm>>)
      tpu.yield
    }) : () -> ()
    "tpu.region"() ({
      %run_scoped3A = tpu.sem_alloc : memref<!tpu.dma_semaphore, #tpu.memory_space<semaphore_mem>>
      %dma_start3A_17 = arith.constant 0 : i32
      %dma_start3A_18 = tpu.memref_slice %arg6[%dma_start3A_17, %mul3A_2] : memref<16x16384xf32, #tpu.memory_space<hbm>> -> memref<16x512xf32, #tpu.memory_space<hbm>>
      %dma_start3A_19 = arith.constant 0 : i32
      %dma_start3A_20 = tpu.memref_slice %arg6[%dma_start3A_19, %mul3A_2] : memref<16x16384xf32, #tpu.memory_space<hbm>> -> memref<16x512xf32, #tpu.memory_space<hbm>>
      tpu.enqueue_dma source(%arg11 : memref<16x512xf32, #tpu.memory_space<vmem>>) target(%dma_start3A_20 : memref<16x512xf32, #tpu.memory_space<hbm>>) target_semaphore(%run_scoped3A : memref<!tpu.dma_semaphore, #tpu.memory_space<semaphore_mem>>)
      %dma_wait3A_21 = arith.constant 0 : i32
      %dma_wait3A_22 = tpu.memref_slice %arg6[%dma_wait3A_21, %mul3A_2] : memref<16x16384xf32, #tpu.memory_space<hbm>> -> memref<16x512xf32, #tpu.memory_space<hbm>>
      %dma_wait3A_23 = arith.constant 0 : i32
      %dma_wait3A_24 = tpu.memref_slice %arg6[%dma_wait3A_23, %mul3A_2] : memref<16x16384xf32, #tpu.memory_space<hbm>> -> memref<16x512xf32, #tpu.memory_space<hbm>>
      tpu.wait_dma2 semaphore(%run_scoped3A : memref<!tpu.dma_semaphore, #tpu.memory_space<semaphore_mem>>) src(%arg11 : memref<16x512xf32, #tpu.memory_space<vmem>>) dst(%dma_wait3A_24 : memref<16x512xf32, #tpu.memory_space<hbm>>)
      tpu.yield
    }) : () -> ()
    return
  }
}

module attributes {stable_mosaic.version = 14 : i64} {
  func.func @_tc_math_kernel(%arg0: memref<16x16384xf32, #tpu.memory_space<vmem>>, %arg1: memref<16x16384xf32, #tpu.memory_space<vmem>>, %arg2: memref<16x16384xf32, #tpu.memory_space<vmem>>, %arg3: memref<16x16384xf32, #tpu.memory_space<vmem>>) attributes {dimension_semantics = [], scalar_prefetch = 0 : i64, scratch_operands = 0 : i64, tpu.core_type = #tpu.core_type<tc>} {
    %get3A = arith.constant 0 : index
    %get3A_0 = arith.constant 0 : index
    %get3A_1 = vector.load %arg0[%get3A, %get3A_0] : memref<16x16384xf32, #tpu.memory_space<vmem>>, vector<16x16384xf32>
    %jit3A = arith.constant 1.000000e-07 : f32
    %jit3A_2 = arith.constant 0.99999988 : f32
    %max3A = vector.broadcast %jit3A : f32 to vector<16x16384xf32>
    %max3A_3 = arith.maximumf %max3A, %get3A_1 : vector<16x16384xf32>
    %min3A = vector.broadcast %jit3A_2 : f32 to vector<16x16384xf32>
    %min3A_4 = arith.minimumf %min3A, %max3A_3 : vector<16x16384xf32>
    %sub3A = arith.constant 1.000000e+00 : f32
    %sub3A_5 = vector.broadcast %sub3A : f32 to vector<16x16384xf32>
    %sub3A_6 = arith.subf %sub3A_5, %min3A_4 : vector<16x16384xf32>
    %div3A = arith.divf %min3A_4, %sub3A_6 : vector<16x16384xf32>
    %log3A = math.log %div3A : vector<16x16384xf32>
    %get3A_7 = arith.constant 0 : index
    %get3A_8 = arith.constant 0 : index
    %get3A_9 = vector.load %arg1[%get3A_7, %get3A_8] : memref<16x16384xf32, #tpu.memory_space<vmem>>, vector<16x16384xf32>
    %mul3A = arith.mulf %log3A, %get3A_9 : vector<16x16384xf32>
    %get3A_10 = arith.constant 0 : index
    %get3A_11 = arith.constant 0 : index
    %get3A_12 = vector.load %arg2[%get3A_10, %get3A_11] : memref<16x16384xf32, #tpu.memory_space<vmem>>, vector<16x16384xf32>
    %add3A = arith.addf %mul3A, %get3A_12 : vector<16x16384xf32>
    %logistic3A = arith.negf %add3A : vector<16x16384xf32>
    %logistic3A_13 = math.exp %logistic3A : vector<16x16384xf32>
    %logistic3A_14 = arith.constant 1.000000e+00 : f32
    %logistic3A_15 = vector.broadcast %logistic3A_14 : f32 to vector<16x16384xf32>
    %logistic3A_16 = arith.addf %logistic3A_15, %logistic3A_13 : vector<16x16384xf32>
    %logistic3A_17 = arith.divf %logistic3A_15, %logistic3A_16 : vector<16x16384xf32>
    %swap3A = arith.constant 0 : index
    %swap3A_18 = arith.constant 0 : index
    %swap3A_19 = vector.load %arg3[%swap3A, %swap3A_18] : memref<16x16384xf32, #tpu.memory_space<vmem>>, vector<16x16384xf32>
    tpu.vector_store %arg3[%swap3A, %swap3A_18], %logistic3A_17 {strides = array<i32>} : memref<16x16384xf32, #tpu.memory_space<vmem>>, vector<16x16384xf32>,
    return
  }
}

</mosaic_0001>

<sc_bundles>
// kernel: kernel.4.cloned.1.call-start
scs
__scs_entry_jumppad:
0x0: {  	(pc) =	sbr.rel $0x88, $3  }
0x1: {  	(tag) =	ssettag $0x0;
	lr =	simm.s32 $0x1  }
0x2: {  	[smem:$0x3F9D] =	sst lr;
	_ =	strace $0xD0000000  }
0x3: {  	_ = 	snop  }
0x4: {  	_ = 	snop  }
0x5: {  	_ = 	snop  }
0x6: {  	_ = 	snop  }
0x7: {  	_ = 	snop  }
__scs_overlays_trampoline_lowered:
0x8: {  	[smem:$0x3FAC] =	sst s0  }
0x9: {  	[smem:$0x3FAD] =	sst s1  }
0xa: {  	[smem:$0x3FAE] =	sst s2  }
0xb: {  	[smem:$0x3FAF] =	sst s3  }
0xc: {  	[smem:$0x3FB0] =	sst s4  }
0xd: {  	[smem:$0x3FB1] =	sst s5  }
0xe: {  	[smem:$0x3FB2] =	sst s6  }
0xf: {  	[smem:$0x3FB3] =	sst s7  }
0x10: {  	[smem:$0x3FB4] =	sst s8  }
0x11: {  	[smem:$0x3FB5] =	sst s9;
	s0 =	simm.s32 @!p0 $0x0  }
0x12: {  	s1 =	sld [smem:$0x3F9B];
	s0 =	simm.s32 @p0 $0x1  }
0x13: {  	[smem:$0x3FB6] =	sst s0;
	s0 =	simm.s32 @!p1 $0x0  }
0x14: {  	s2 =	sld [smem:$0x3F9A];
	s0 =	simm.s32 @p1 $0x1  }
0x15: {  	[smem:$0x3FB7] =	sst s0;
	s0 =	simm.s32 @!p2 $0x0  }
0x16: {  	s3 =	sld [smem:$0x3FDB];
	s0 =	simm.s32 @p2 $0x1  }
0x17: {  	s4 =	simm.s32 $0x1BF5;
	[smem:$0x3FB9] =	sst s0  }
0x18: {  	s0 =	sld [smem:$0x3F9C];
	_ =	swait.ge [sflag:s4], $0x0  }
0x19: {  	s7 =	sld [smem:$0x3F9D]  }
0x1a: {  	s8 =	sadd.s32 $0xFFFFE003, lr  }
0x1b: {  	s9 =	sadd.s32 $0xFFFFFEF7, lr;
	s5 =	simm.s32 $0xFFFFFFFF;
	p2 =	slt.u32 s8, $0xFFFFF086  }
0x1c: {  	p1 =	slt.u32 s9, $0xF7A;
	s5 =	simm.s32 @!p2 $0x0  }
0x1d: {  	s5 =	simm.s32 @p1 $0x1;
	p0 =	seq.s32 s7, s2  }
0x1e: {  	s7 =	smul.u32 @!p0 $0xF7A, s2;
	p2 =	seq.s32 @!p0 s5, $0x0  }
0x1f: {  	s9 =	smul.u32 $0xF7A, s1;
	s8 =	simm.s32 @!p0 $0x1BF5;
	p2 =	por !p2, p0  }
0x20: {  	[sflag:s8] =	ssyncset.s32 @!p0 $0xFFFFF086;
	s6 =	sadd.s32 @!p0 s3, s7;
	s7 =	simm.s32 @!p0 $0x108  }
0x21: {  	s3 =	sadd.s32 s3, s9;
	s6 =	sadd.s32 @!p0 $0x88, s6;
	s7 =	simm.s32 @p2 $0x1082  }
0x22: {  	[simem:s7], [sflag:s8] =	dma.local @!p0 [hbm:s6], $0xF7A  }
0x23: {  	s9 =	sor.u32 $0xD0000000, s2;
	s6 =	simm.s32 $0x108;
	_ =	swait.ge @!p0 [sflag:s8], $0x0  }
0x24: {  	s3 =	sadd.s32 $0x88, s3;
	s6 =	simm.s32 @!p1 $0x1082;
	[sflag:s4] =	ssyncset.s32 $0xFFFFF086  }
0x25: {  	[simem:s6], [sflag:s4] =	dma.local [hbm:s3], $0xF7A  }
0x26: {  	[smem:$0x3F9D] =	sst s1;
	(tag) =	ssettag s2;
	_ =	strace s9  }
0x27: {  	s1 =	sld [smem:$0x3FAD]  }
0x28: {  	s2 =	sld [smem:$0x3FAE]  }
0x29: {  	s4 =	sld [smem:$0x3FB0]  }
0x2a: {  	p0 =	seq.s32 s5, $0x0;
	s5 =	sld [smem:$0x3FB1]  }
0x2b: {  	s6 =	sld [smem:$0x3FB2]  }
0x2c: {  	s7 =	sld [smem:$0x3FB3]  }
0x2d: {  	s3 =	simm.s32 $0x108;
	s8 =	sld [smem:$0x3FB4]  }
0x2e: {  	s3 =	simm.s32 @!p0 $0x1082;
	s9 =	sld [smem:$0x3FB5]  }
0x2f: {  	lr =	sadd.s32 s0, s3;
	s0 =	sld [smem:$0x3FAC]  }
0x30: {  	s3 =	sld [smem:$0x3FAF]  }
0x31: {  	[smem:$0x3FB8] =	sst s10  }
0x32: {  	s10 =	sld [smem:$0x3FB6];
	_ =	sdelay $0x3  }
0x33: {  	p0 =	seq.s32 s10, $0x1;
	s10 =	sld [smem:$0x3FB8];
	_ =	sdelay $0x3  }
0x34: {  	[smem:$0x3FB8] =	sst s10  }
0x35: {  	s10 =	sld [smem:$0x3FB7];
	_ =	sdelay $0x3  }
0x36: {  	p1 =	seq.s32 s10, $0x1;
	s10 =	sld [smem:$0x3FB8];
	_ =	sdelay $0x3  }
0x37: {  	[smem:$0x3FB8] =	sst s10  }
0x38: {  	s10 =	sld [smem:$0x3FB9]  }
0x39: {  	_ = 	snop;
	(pc) =	sbr.ind lr, $3  }
0x3a: {  	_ = 	snop  }
0x3b: {  	_ = 	snop  }
0x3c: {  	p2 =	seq.s32 s10, $0x1;
	s10 =	sld [smem:$0x3FB8]  }
0x3d: {  	_ =	shalt  }
0x3e: {  	_ =	shalt  }
0x3f: {  	_ =	shalt  }
0x40: {  	_ =	shalt  }
0x41: {  	_ =	shalt  }
0x42: {  	_ =	shalt  }
0x43: {  	_ =	shalt  }
0x44: {  	_ =	shalt  }
0x45: {  	_ =	shalt  }
0x46: {  	_ =	shalt  }
0x47: {  	_ =	shalt  }
0x48: {  	_ =	shalt  }
0x49: {  	_ =	shalt  }
0x4a: {  	_ =	shalt  }
0x4b: {  	_ =	shalt  }
0x4c: {  	_ =	shalt  }
0x4d: {  	_ =	shalt  }
0x4e: {  	_ =	shalt  }
0x4f: {  	_ =	shalt  }
0x50: {  	_ =	shalt  }
0x51: {  	_ =	shalt  }
0x52: {  	_ =	shalt  }
0x53: {  	_ =	shalt  }
0x54: {  	_ =	shalt  }
0x55: {  	_ =	shalt  }
0x56: {  	_ =	shalt  }
0x57: {  	_ =	shalt  }
0x58: {  	_ =	shalt  }
0x59: {  	_ =	shalt  }
0x5a: {  	_ =	shalt  }
0x5b: {  	_ =	shalt  }
0x5c: {  	_ =	shalt  }
0x5d: {  	_ =	shalt  }
0x5e: {  	_ =	shalt  }
0x5f: {  	_ =	shalt  }
0x60: {  	_ =	shalt  }
0x61: {  	_ =	shalt  }
0x62: {  	_ =	shalt  }
0x63: {  	_ =	shalt  }
0x64: {  	_ =	shalt  }
0x65: {  	_ =	shalt  }
0x66: {  	_ =	shalt  }
0x67: {  	_ =	shalt  }
0x68: {  	_ =	shalt  }
0x69: {  	_ =	shalt  }
0x6a: {  	_ =	shalt  }
0x6b: {  	_ =	shalt  }
0x6c: {  	_ =	shalt  }
0x6d: {  	_ =	shalt  }
0x6e: {  	_ =	shalt  }
0x6f: {  	_ =	shalt  }
0x70: {  	_ =	shalt  }
0x71: {  	_ =	shalt  }
0x72: {  	_ =	shalt  }
0x73: {  	_ =	shalt  }
0x74: {  	_ =	shalt  }
0x75: {  	_ =	shalt  }
0x76: {  	_ =	shalt  }
0x77: {  	_ =	shalt  }
0x78: {  	_ =	shalt  }
0x79: {  	_ =	shalt  }
0x7a: {  	_ =	shalt  }
0x7b: {  	_ =	shalt  }
0x7c: {  	_ =	shalt  }
0x7d: {  	_ =	shalt  }
0x7e: {  	_ =	shalt  }
0x7f: {  	_ =	shalt  }
0x80: {  	_ =	shalt  }
0x81: {  	_ =	shalt  }
0x82: {  	_ =	shalt  }
0x83: {  	_ =	shalt  }
0x84: {  	_ =	shalt  }
0x85: {  	_ =	shalt  }
0x86: {  	_ =	shalt  }
0x87: {  	_ =	shalt  }
.Lfunc_end0:
.L_simem_size_0:
called_computation_lowered:
.L_overlay_start_0:
0x88: {  	s2 =	sld [smem:$0x3FD9]  }
0x89: {  	s3 =	sld [smem:$0x3FFE];
	_ =	sdelay $0x1  }
0x8a: {  	s1 =	srdreg.scid  }
0x8b: {  	s0 =	sand.u32 $0x1, s1  }
0x8c: {  	s17 =	sshll.u32 s0, $0xA;
	s2 =	sadd.s32 s3, s2  }
0x8d: {  	s2 =	sadd.s32 s2, s17  }
0x8e: {  	[smem:$0x3FC4] =	sst s2  }
0x8f: {  	_ = 	snop  }
0x90: {  	s2 =	sld [smem:$0x3FC8]  }
0x91: {  	s18 =	sld [smem:$0x3FD0];
	(tm) =	ssettm $0x1  }
0x92: {  	s4 =	sld [smem:$0x3FFB];
	_ =	sdelay $0x3  }
0x93: {  	_ =	strace s4  }
0x94: {  	s4 =	sld [smem:$0x3FFC];
	_ =	sdelay $0x3  }
0x95: {  	_ =	strace s4  }
0x96: {  	s4 =	sld [smem:$0x3FFD];
	_ =	sdelay $0x3  }
0x97: {  	_ =	strace s4  }
0x98: {  	_ =	strace $0x8FFFFFFF  }
0x99: {  	s19 =	sld [smem:$0x3FDB];
	_ =	sdelay $0x1  }
0x9a: {  	s5 =	simm.s32 $_scs_section_size  }
0x9b: {  	s6 =	simm.s32 $_size__tile_overlayer_lowered;
	s7 =	simm.s32 $_tile_overlayer_lowered  }
0x9c: {  	s22 =	simm.s32 $0x1BFF;
	s21 =	sshll.u32 s7, $0x1;
	s4 =	sadd.s32 s5, s19  }
0x9d: {  	s8 =	simm.s32 $0x0;
	s20 =	sshll.u32 s6, $0x1;
	s6 =	sadd.s32 s21, s4  }
0x9e: {  	[timem:s8], [sflag:s22] =	dma.local [hbm:s6], s20  }
0x9f: {  	_ =	swait.ge [sflag:s22], s20  }
0xa0: {  	s5 =	ssub.s32 $0x0, s20;
	[sflag:s22] =	ssyncset.done $0x0  }
0xa1: {  	[sflag:s22] =	ssyncadd.s32 s5;
	_ =	sdelay $0x1  }
0xa2: {  	s23 =	simm.s32 $0x1B8B  }
0xa3: {  	_ =	swait.ge [sflag:s23], $0x1  }
0xa4: {  	[sflag:s23] =	ssyncset.done $0x0  }
0xa5: {  	s25 =	simm.s32 $0x1B8E;
	s24 =	sld [smem:$0x3FFE];
	[sflag:s23] =	ssyncadd.s32 $0xFFFFFFFF  }
0xa6: {  	s26 =	simm.s32 $execute0_lowered;
	[smem:$0x3FD2] =	sst s25  }
0xa7: {  	s6 =	sshll.u32 s26, $0x1;
	_ =	strace $0x80000046;
	[dreg:$0x1] =	wrdreg $0xFFFFFFFF  }
0xa8: {  	s28 =	simm.s32 $_size_execute0_lowered;
	s4 =	sadd.s32 s4, s6;
	[dreg:$0x0] =	wrdreg $0x0  }
0xa9: {  	s6 =	sshll.u32 s28, $0x1;
	[dreg:$0x2] =	wrdreg s4  }
0xaa: {  	[dreg:$0x3] =	wrdreg s6  }
0xab: {  	[dreg:$0x4] =	wrdreg $0xC0  }
0xac: {  	_ =	task [dreg:s8], $0x5FFFF  }
0xad: {  	[dreg:$0x1] =	wrdreg $0xFFFFFFFF  }
0xae: {  	[dreg:$0x0] =	wrdreg $0x60  }
0xaf: {  	[dreg:$0x2] =	wrdreg s24  }
0xb0: {  	[dreg:$0x3] =	wrdreg s2  }
0xb1: {  	[dreg:$0x4] =	wrdreg s18  }
0xb2: {  	[dreg:$0x5] =	wrdreg $0x9  }
0xb3: {  	_ =	task.clear_ibuf [dreg:s8], $0x6FFFF;
	_ =	strace $0x90000046  }
0xb4: {  	s29 =	simm.s32 $0x9;
	_ =	strace $0x80000048  }
0xb5: {  	_ =	swait.ge [sflag:s29], $0x1  }
0xb6: {  	[sflag:s29] =	ssyncadd.s32 $0xFFFFFFFF  }
0xb7: {  	_ =	strace $0x90000048  }
0xb8: {  	_ =	sfence  }
0xb9: {  	s30 =	sld [smem:$0x0];
	_ =	sdelay $0x2  }
0xba: {  	s31 =	sshll.u32 s1, $0xD;
	s1 =	sshrl.u32 s1, $0x2  }
0xbb: {  	s3 =	sand.u32 $0x4000, s31;
	s1 =	sadd.s32 s1, s30  }
0xbc: {  	s0 =	sor.u32 s3, s0;
	s1 =	sshll.u32 s1, $0x11  }
0xbd: {  	s0 =	sor.u32 s1, s0  }
0xbe: {  	s0 =	sadd.s32 $0x8F2B, s0  }
0xbf: {  	[sflag:s0] =	ssyncadd.remote.s32 $0x1  }
0xc0: {  	_ =	sfence.sel $0xFFFF  }
0xc1: {  	[dreg:$0x0] =	wrdreg $0xFFFFFFFF;
	(pc) =	sbr.abs _section_cstart, $3  }
0xc2: {  	[dreg:$0x1] =	wrdreg $0xFFFFFFFF  }
0xc3: {  	_ =	task.clear_ibuf [dreg:s8], $0x2FFFF;
	_ =	strace $0x9FFFFFFF  }
0xc4: {  	(tm) =	ssettm $0x7FFFFFFF  }
0xc5: {  	_ =	shalt  }
tec
execute0_lowered:
.L_overlay_start_1:
0x0: {  	(tag) =	ssettag $0x1  }
0x1: {  	s5 =	rddreg [dreg:$0x0]  }
0x2: {  	s6 =	rddreg [dreg:$0x1]  }
0x3: {  	s7 =	rddreg [dreg:$0x2]  }
0x4: {  	s0 =	rddreg [dreg:$0x3];
	s1 =	simm.s32 $0x0  }
0x5: {  	s4 =	srdreg.scid;
	s2 =	stileid.u32;
	s12 =	simm.s32 $0x1  }
0x6: {  	s13 =	simm.s32 $0x2;
	s14 =	simm.s32 $0x4000;
	s15 =	simm.s32 $0x4200  }
0x7: {  	s16 =	simm.s32 $0x6200;
	s17 =	simm.s32 $0x0;
	[smem:$0x7FF] =	sst s1  }
0x8: {  	s3 =	sadd.s32 $0xF42E00, s5;
	s4 =	sand.u32 $0x1, s4;
	s8 =	sshll.u32 s2, $0x7  }
0x9: {  	_ =	strace $0x80000047;
	s9 =	sshll.u32 s4, $0x6;
	s10 =	ssub.s32 $0x2, s4  }
0xa: {  	s4 =	sadd.s32 $0x112B400, s5;
	s8 =	sor.u32 s9, s8;
	s31 =	sshrl.u32 s10, $0x1  }
0xb: {  	s11 =	sadd.s32 s8, s5;
	s9 =	ssub.s32 s10, s31;
	s5 =	sadd.s32 s6, s8  }
0xc: {  	v0 =	vlaneseq.u32;
	s6 =	sadd.s32 s7, s8;
	s10 =	simm.s32 $0x200;
	s7 =	sadd.s32 $0xA00, s11  }
0xd: {  	v0 =	vmul.u32 $0x10, v0;
	s8 =	smax.u32 s9, $0x1;
	s9 =	simm.s32 $0x3;
	s11 =	simm.s32 $0x2200  }
.LBB2_1:
0xe: {  	[tilespmem:s1], [sflag:$0x3] =	stream.linear.gather [hbm4b:s5+s1], $0x200, $0x38;
	[tilespmem:$0x8200] =	vst v63  }
0xf: {  	_ =	swait.ge [sflag:s9], $0x200  }
0x10: {  	[sflag:s9] =	ssyncset.done $0x0  }
0x11: {  	[sflag:s9] =	ssyncadd.s32 $0xFFFFFE00  }
0x12: {  	[tilespmem:s10], [sflag:$0x1] =	stream.indirect.gather [hbm4b:s3+s10], $0x10, s1, s10, $0xb8;
	[tilespmem:$0x8200] =	vst v63  }
0x13: {  	_ = 	snop  }
0x14: {  	v1 =	vmov s1;
	[tilespmem:s11], [sflag:$0x2] =	stream.indirect.gather [hbm4b:s4+s10], $0x10, s1, s10, $0xb8;
	[tilespmem:$0x8200] =	vst v63  }
0x15: {  	v1 =	vshll.u32 v1, $0x4;
	_ =	swait.ge [sflag:s12], $0x2000  }
0x16: {  	v1 =	vor.u32 v0, v1;
	[sflag:s12] =	ssyncset.done $0x0  }
0x17: {  	[sflag:s12] =	ssyncadd.s32 $0xFFFFE000  }
0x18: {  	_ =	swait.ge [sflag:s13], $0x2000  }
0x19: {  	[sflag:s13] =	ssyncset.done $0x0  }
0x1a: {  	[sflag:s13] =	ssyncadd.s32 $0xFFFFE000  }
0x1b: {  	v2 =	vld.idx.msk [tilespmem:v1+s10+$0x0], $0xffff;
	_ =	sdelay $0x3  }
0x1c: {  	s19 =	simm.s32 $0x5200  }
0x1d: {  	[tilespmem:s19+$0xFFFFF000] =	vst v2  }
0x1e: {  	v2 =	vld.idx.msk [tilespmem:v1+s11+$0x0], $0xffff  }
0x1f: {  	v3 =	vor.u32 $0x1, v1;
	_ =	sdelay $0x2  }
0x20: {  	s18 =	simm.s32 $0x7200  }
0x21: {  	[tilespmem:s18+$0xFFFFF000] =	vst v2  }
0x22: {  	v2 =	vld.idx.msk [tilespmem:v3+s10+$0x0], $0xffff;
	_ =	sdelay $0x4  }
0x23: {  	[tilespmem:s19+$0xFFFFF200] =	vst v2  }
0x24: {  	v2 =	vld.idx.msk [tilespmem:v3+s11+$0x0], $0xffff  }
0x25: {  	v3 =	vor.u32 $0x2, v1;
	_ =	sdelay $0x3  }
0x26: {  	[tilespmem:s18+$0xFFFFF200] =	vst v2  }
0x27: {  	v2 =	vld.idx.msk [tilespmem:v3+s10+$0x0], $0xffff;
	_ =	sdelay $0x4  }
0x28: {  	[tilespmem:s19+$0xFFFFF400] =	vst v2  }
0x29: {  	v2 =	vld.idx.msk [tilespmem:v3+s11+$0x0], $0xffff  }
0x2a: {  	v3 =	vor.u32 $0x3, v1;
	_ =	sdelay $0x3  }
0x2b: {  	[tilespmem:s18+$0xFFFFF400] =	vst v2  }
0x2c: {  	v2 =	vld.idx.msk [tilespmem:v3+s10+$0x0], $0xffff;
	_ =	sdelay $0x4  }
0x2d: {  	[tilespmem:s19+$0xFFFFF600] =	vst v2  }
0x2e: {  	v2 =	vld.idx.msk [tilespmem:v3+s11+$0x0], $0xffff  }
0x2f: {  	v3 =	vor.u32 $0x4, v1;
	_ =	sdelay $0x3  }
0x30: {  	[tilespmem:s18+$0xFFFFF600] =	vst v2  }
0x31: {  	v2 =	vld.idx.msk [tilespmem:v3+s10+$0x0], $0xffff;
	_ =	sdelay $0x4  }
0x32: {  	[tilespmem:s19+$0xFFFFF800] =	vst v2  }
0x33: {  	v2 =	vld.idx.msk [tilespmem:v3+s11+$0x0], $0xffff  }
0x34: {  	v3 =	vor.u32 $0x5, v1;
	_ =	sdelay $0x3  }
0x35: {  	[tilespmem:s18+$0xFFFFF800] =	vst v2  }
0x36: {  	v2 =	vld.idx.msk [tilespmem:v3+s10+$0x0], $0xffff;
	_ =	sdelay $0x4  }
0x37: {  	[tilespmem:s19+$0xFFFFFA00] =	vst v2  }
0x38: {  	v2 =	vld.idx.msk [tilespmem:v3+s11+$0x0], $0xffff  }
0x39: {  	v3 =	vor.u32 $0x6, v1;
	_ =	sdelay $0x3  }
0x3a: {  	[tilespmem:s18+$0xFFFFFA00] =	vst v2  }
0x3b: {  	v2 =	vld.idx.msk [tilespmem:v3+s10+$0x0], $0xffff;
	_ =	sdelay $0x4  }
0x3c: {  	[tilespmem:s19+$0xFFFFFC00] =	vst v2  }
0x3d: {  	v2 =	vld.idx.msk [tilespmem:v3+s11+$0x0], $0xffff  }
0x3e: {  	v3 =	vor.u32 $0x7, v1;
	_ =	sdelay $0x3  }
0x3f: {  	[tilespmem:s18+$0xFFFFFC00] =	vst v2  }
0x40: {  	v2 =	vld.idx.msk [tilespmem:v3+s10+$0x0], $0xffff;
	_ =	sdelay $0x4  }
0x41: {  	[tilespmem:s19+$0xFFFFFE00] =	vst v2  }
0x42: {  	v2 =	vld.idx.msk [tilespmem:v3+s11+$0x0], $0xffff  }
0x43: {  	v3 =	vor.u32 $0x8, v1;
	_ =	sdelay $0x3  }
0x44: {  	[tilespmem:s18+$0xFFFFFE00] =	vst v2  }
0x45: {  	v2 =	vld.idx.msk [tilespmem:v3+s10+$0x0], $0xffff;
	_ =	sdelay $0x4  }
0x46: {  	[tilespmem:s19+$0x0] =	vst v2  }
0x47: {  	v2 =	vld.idx.msk [tilespmem:v3+s11+$0x0], $0xffff  }
0x48: {  	v3 =	vor.u32 $0x9, v1;
	_ =	sdelay $0x3  }
0x49: {  	[tilespmem:s18+$0x0] =	vst v2  }
0x4a: {  	v2 =	vld.idx.msk [tilespmem:v3+s10+$0x0], $0xffff;
	_ =	sdelay $0x4  }
0x4b: {  	[tilespmem:s19+$0x200] =	vst v2  }
0x4c: {  	v2 =	vld.idx.msk [tilespmem:v3+s11+$0x0], $0xffff  }
0x4d: {  	v3 =	vor.u32 $0xA, v1;
	_ =	sdelay $0x3  }
0x4e: {  	[tilespmem:s18+$0x200] =	vst v2  }
0x4f: {  	v2 =	vld.idx.msk [tilespmem:v3+s10+$0x0], $0xffff;
	_ =	sdelay $0x4  }
0x50: {  	[tilespmem:s19+$0x400] =	vst v2  }
0x51: {  	v2 =	vld.idx.msk [tilespmem:v3+s11+$0x0], $0xffff  }
0x52: {  	v3 =	vor.u32 $0xB, v1;
	_ =	sdelay $0x3  }
0x53: {  	[tilespmem:s18+$0x400] =	vst v2  }
0x54: {  	v2 =	vld.idx.msk [tilespmem:v3+s10+$0x0], $0xffff;
	_ =	sdelay $0x4  }
0x55: {  	[tilespmem:s19+$0x600] =	vst v2  }
0x56: {  	v2 =	vld.idx.msk [tilespmem:v3+s11+$0x0], $0xffff  }
0x57: {  	v3 =	vor.u32 $0xC, v1;
	_ =	sdelay $0x3  }
0x58: {  	[tilespmem:s18+$0x600] =	vst v2  }
0x59: {  	v2 =	vld.idx.msk [tilespmem:v3+s10+$0x0], $0xffff;
	_ =	sdelay $0x4  }
0x5a: {  	[tilespmem:s19+$0x800] =	vst v2  }
0x5b: {  	v2 =	vld.idx.msk [tilespmem:v3+s11+$0x0], $0xffff  }
0x5c: {  	v3 =	vor.u32 $0xD, v1;
	_ =	sdelay $0x3  }
0x5d: {  	[tilespmem:s18+$0x800] =	vst v2  }
0x5e: {  	v2 =	vld.idx.msk [tilespmem:v3+s10+$0x0], $0xffff;
	_ =	sdelay $0x4  }
0x5f: {  	[tilespmem:s19+$0xA00] =	vst v2  }
0x60: {  	v2 =	vld.idx.msk [tilespmem:v3+s11+$0x0], $0xffff  }
0x61: {  	v3 =	vor.u32 $0xE, v1;
	_ =	sdelay $0x3  }
0x62: {  	[tilespmem:s18+$0xA00] =	vst v2  }
0x63: {  	v2 =	vld.idx.msk [tilespmem:v3+s10+$0x0], $0xffff;
	_ =	sdelay $0x4  }
0x64: {  	[tilespmem:s19+$0xC00] =	vst v2  }
0x65: {  	v2 =	vld.idx.msk [tilespmem:v3+s11+$0x0], $0xffff  }
0x66: {  	v3 =	vor.u32 $0xF, v1;
	_ =	sdelay $0x3  }
0x67: {  	[tilespmem:s18+$0xC00] =	vst v2  }
0x68: {  	v1 =	vld.idx.msk [tilespmem:v3+s10+$0x0], $0xffff;
	_ =	sdelay $0x4  }
0x69: {  	s20 =	simm.s32 $0x10;
	[tilespmem:s19+$0xE00] =	vst v1  }
0x6a: {  	v1 =	vmov s20;
	s20 =	simm.s32 $0x20;
	v2 =	vld.idx.msk [tilespmem:v3+s11+$0x0], $0xffff  }
.LBB2_2:
0x6b: {  	p0 =	sne.s32 s20, $0x1F0;
	v1 =	vshll.u32 v1, $0x4  }
0x6c: {  	v1 =	vor.u32 v0, v1;
	_ =	sdelay $0x3  }
0x6d: {  	[tilespmem:s18+$0xE00] =	vst v2  }
0x6e: {  	v2 =	vld.idx.msk [tilespmem:v1+s10+$0x0], $0xffff;
	_ =	sdelay $0x4  }
0x6f: {  	s19 =	sadd.s32 $0x10, s19  }
0x70: {  	[tilespmem:s19+$0xFFFFF000] =	vst v2  }
0x71: {  	v2 =	vld.idx.msk [tilespmem:v1+s11+$0x0], $0xffff;
	_ =	sdelay $0x1  }
0x72: {  	v3 =	vor.u32 $0x1, v1;
	_ =	sdelay $0x2  }
0x73: {  	s18 =	sadd.s32 $0x10, s18  }
0x74: {  	[tilespmem:s18+$0xFFFFF000] =	vst v2  }
0x75: {  	v2 =	vld.idx.msk [tilespmem:v3+s10+$0x0], $0xffff;
	_ =	sdelay $0x5  }
0x76: {  	[tilespmem:s19+$0xFFFFF200] =	vst v2  }
0x77: {  	v2 =	vld.idx.msk [tilespmem:v3+s11+$0x0], $0xffff;
	_ =	sdelay $0x1  }
0x78: {  	v3 =	vor.u32 $0x2, v1;
	_ =	sdelay $0x3  }
0x79: {  	[tilespmem:s18+$0xFFFFF200] =	vst v2  }
0x7a: {  	v2 =	vld.idx.msk [tilespmem:v3+s10+$0x0], $0xffff;
	_ =	sdelay $0x5  }
0x7b: {  	[tilespmem:s19+$0xFFFFF400] =	vst v2  }
0x7c: {  	v2 =	vld.idx.msk [tilespmem:v3+s11+$0x0], $0xffff;
	_ =	sdelay $0x1  }
0x7d: {  	v3 =	vor.u32 $0x3, v1;
	_ =	sdelay $0x3  }
0x7e: {  	[tilespmem:s18+$0xFFFFF400] =	vst v2  }
0x7f: {  	v2 =	vld.idx.msk [tilespmem:v3+s10+$0x0], $0xffff;
	_ =	sdelay $0x5  }
0x80: {  	[tilespmem:s19+$0xFFFFF600] =	vst v2  }
0x81: {  	v2 =	vld.idx.msk [tilespmem:v3+s11+$0x0], $0xffff;
	_ =	sdelay $0x1  }
0x82: {  	v3 =	vor.u32 $0x4, v1;
	_ =	sdelay $0x3  }
0x83: {  	[tilespmem:s18+$0xFFFFF600] =	vst v2  }
0x84: {  	v2 =	vld.idx.msk [tilespmem:v3+s10+$0x0], $0xffff;
	_ =	sdelay $0x5  }
0x85: {  	[tilespmem:s19+$0xFFFFF800] =	vst v2  }
0x86: {  	v2 =	vld.idx.msk [tilespmem:v3+s11+$0x0], $0xffff;
	_ =	sdelay $0x1  }
0x87: {  	v3 =	vor.u32 $0x5, v1;
	_ =	sdelay $0x3  }
0x88: {  	[tilespmem:s18+$0xFFFFF800] =	vst v2  }
0x89: {  	v2 =	vld.idx.msk [tilespmem:v3+s10+$0x0], $0xffff;
	_ =	sdelay $0x5  }
0x8a: {  	[tilespmem:s19+$0xFFFFFA00] =	vst v2  }
0x8b: {  	v2 =	vld.idx.msk [tilespmem:v3+s11+$0x0], $0xffff;
	_ =	sdelay $0x1  }
0x8c: {  	v3 =	vor.u32 $0x6, v1;
	_ =	sdelay $0x3  }
0x8d: {  	[tilespmem:s18+$0xFFFFFA00] =	vst v2  }
0x8e: {  	v2 =	vld.idx.msk [tilespmem:v3+s10+$0x0], $0xffff;
	_ =	sdelay $0x5  }
0x8f: {  	[tilespmem:s19+$0xFFFFFC00] =	vst v2  }
0x90: {  	v2 =	vld.idx.msk [tilespmem:v3+s11+$0x0], $0xffff;
	_ =	sdelay $0x1  }
0x91: {  	v3 =	vor.u32 $0x7, v1;
	_ =	sdelay $0x3  }
0x92: {  	[tilespmem:s18+$0xFFFFFC00] =	vst v2  }
0x93: {  	v2 =	vld.idx.msk [tilespmem:v3+s10+$0x0], $0xffff;
	_ =	sdelay $0x5  }
0x94: {  	[tilespmem:s19+$0xFFFFFE00] =	vst v2  }
0x95: {  	v2 =	vld.idx.msk [tilespmem:v3+s11+$0x0], $0xffff;
	_ =	sdelay $0x1  }
0x96: {  	v3 =	vor.u32 $0x8, v1;
	_ =	sdelay $0x3  }
0x97: {  	[tilespmem:s18+$0xFFFFFE00] =	vst v2  }
0x98: {  	v2 =	vld.idx.msk [tilespmem:v3+s10+$0x0], $0xffff;
	_ =	sdelay $0x5  }
0x99: {  	[tilespmem:s19+$0x0] =	vst v2  }
0x9a: {  	v2 =	vld.idx.msk [tilespmem:v3+s11+$0x0], $0xffff;
	_ =	sdelay $0x1  }
0x9b: {  	v3 =	vor.u32 $0x9, v1;
	_ =	sdelay $0x3  }
0x9c: {  	[tilespmem:s18+$0x0] =	vst v2  }
0x9d: {  	v2 =	vld.idx.msk [tilespmem:v3+s10+$0x0], $0xffff;
	_ =	sdelay $0x5  }
0x9e: {  	[tilespmem:s19+$0x200] =	vst v2  }
0x9f: {  	v2 =	vld.idx.msk [tilespmem:v3+s11+$0x0], $0xffff;
	_ =	sdelay $0x1  }
0xa0: {  	v3 =	vor.u32 $0xA, v1;
	_ =	sdelay $0x3  }
0xa1: {  	[tilespmem:s18+$0x200] =	vst v2  }
0xa2: {  	v2 =	vld.idx.msk [tilespmem:v3+s10+$0x0], $0xffff;
	_ =	sdelay $0x5  }
0xa3: {  	[tilespmem:s19+$0x400] =	vst v2  }
0xa4: {  	v2 =	vld.idx.msk [tilespmem:v3+s11+$0x0], $0xffff;
	_ =	sdelay $0x1  }
0xa5: {  	v3 =	vor.u32 $0xB, v1;
	_ =	sdelay $0x3  }
0xa6: {  	[tilespmem:s18+$0x400] =	vst v2  }
0xa7: {  	v2 =	vld.idx.msk [tilespmem:v3+s10+$0x0], $0xffff;
	_ =	sdelay $0x5  }
0xa8: {  	[tilespmem:s19+$0x600] =	vst v2  }
0xa9: {  	v2 =	vld.idx.msk [tilespmem:v3+s11+$0x0], $0xffff;
	_ =	sdelay $0x1  }
0xaa: {  	v3 =	vor.u32 $0xC, v1;
	_ =	sdelay $0x3  }
0xab: {  	[tilespmem:s18+$0x600] =	vst v2  }
0xac: {  	v2 =	vld.idx.msk [tilespmem:v3+s10+$0x0], $0xffff;
	_ =	sdelay $0x5  }
0xad: {  	[tilespmem:s19+$0x800] =	vst v2  }
0xae: {  	v2 =	vld.idx.msk [tilespmem:v3+s11+$0x0], $0xffff;
	_ =	sdelay $0x1  }
0xaf: {  	v3 =	vor.u32 $0xD, v1;
	_ =	sdelay $0x3  }
0xb0: {  	[tilespmem:s18+$0x800] =	vst v2  }
0xb1: {  	v2 =	vld.idx.msk [tilespmem:v3+s10+$0x0], $0xffff;
	_ =	sdelay $0x5  }
0xb2: {  	[tilespmem:s19+$0xA00] =	vst v2  }
0xb3: {  	v2 =	vld.idx.msk [tilespmem:v3+s11+$0x0], $0xffff;
	_ =	sdelay $0x1  }
0xb4: {  	v3 =	vor.u32 $0xE, v1;
	_ =	sdelay $0x3  }
0xb5: {  	[tilespmem:s18+$0xA00] =	vst v2  }
0xb6: {  	v2 =	vld.idx.msk [tilespmem:v3+s10+$0x0], $0xffff;
	_ =	sdelay $0x5  }
0xb7: {  	[tilespmem:s19+$0xC00] =	vst v2  }
0xb8: {  	v2 =	vld.idx.msk [tilespmem:v3+s11+$0x0], $0xffff;
	_ =	sdelay $0x1  }
0xb9: {  	v3 =	vor.u32 $0xF, v1;
	_ =	sdelay $0x3  }
0xba: {  	[tilespmem:s18+$0xC00] =	vst v2  }
0xbb: {  	v1 =	vld.idx.msk [tilespmem:v3+s10+$0x0], $0xffff;
	_ =	sdelay $0x2  }
.Ltmp0:
0xbc: {  	(pc) =	sbr.rel @p0 .LBB2_2-.Ltmp0, $3  }
0xbd: {  	_ =	sdelay $0x1  }
0xbe: {  	[tilespmem:s19+$0xE00] =	vst v1  }
0xbf: {  	v1 =	vmov s20;
	s20 =	sadd.s32 $0x10, s20;
	v2 =	vld.idx.msk [tilespmem:v3+s11+$0x0], $0xffff  }
0xc0: {  	v1 =	vshll.u32 v1, $0x4  }
0xc1: {  	v1 =	vor.u32 v0, v1;
	_ =	sdelay $0x3  }
0xc2: {  	[tilespmem:s18+$0xE00] =	vst v2  }
0xc3: {  	v2 =	vld.idx.msk [tilespmem:v1+s10+$0x0], $0xffff;
	_ =	sdelay $0x3  }
0xc4: {  	s19 =	sadd.s32 $0x10, s19  }
0xc5: {  	[tilespmem:s19+$0xFFFFF000] =	vst v2  }
0xc6: {  	v2 =	vld.idx.msk [tilespmem:v1+s11+$0x0], $0xffff  }
0xc7: {  	v3 =	vor.u32 $0x1, v1;
	_ =	sdelay $0x2  }
0xc8: {  	s31 =	sadd.s32 $0x10, s18  }
0xc9: {  	[tilespmem:s31+$0xFFFFF000] =	vst v2  }
0xca: {  	v2 =	vld.idx.msk [tilespmem:v3+s10+$0x0], $0xffff;
	_ =	sdelay $0x4  }
0xcb: {  	[tilespmem:s19+$0xFFFFF200] =	vst v2  }
0xcc: {  	v2 =	vld.idx.msk [tilespmem:v3+s11+$0x0], $0xffff  }
0xcd: {  	v3 =	vor.u32 $0x2, v1;
	_ =	sdelay $0x3  }
0xce: {  	[tilespmem:s31+$0xFFFFF200] =	vst v2  }
0xcf: {  	v2 =	vld.idx.msk [tilespmem:v3+s10+$0x0], $0xffff;
	_ =	sdelay $0x4  }
0xd0: {  	[tilespmem:s19+$0xFFFFF400] =	vst v2  }
0xd1: {  	v2 =	vld.idx.msk [tilespmem:v3+s11+$0x0], $0xffff  }
0xd2: {  	v3 =	vor.u32 $0x3, v1;
	_ =	sdelay $0x3  }
0xd3: {  	[tilespmem:s31+$0xFFFFF400] =	vst v2  }
0xd4: {  	v2 =	vld.idx.msk [tilespmem:v3+s10+$0x0], $0xffff;
	_ =	sdelay $0x4  }
0xd5: {  	[tilespmem:s19+$0xFFFFF600] =	vst v2  }
0xd6: {  	v2 =	vld.idx.msk [tilespmem:v3+s11+$0x0], $0xffff  }
0xd7: {  	v3 =	vor.u32 $0x4, v1;
	_ =	sdelay $0x3  }
0xd8: {  	[tilespmem:s31+$0xFFFFF600] =	vst v2  }
0xd9: {  	v2 =	vld.idx.msk [tilespmem:v3+s10+$0x0], $0xffff;
	_ =	sdelay $0x4  }
0xda: {  	[tilespmem:s19+$0xFFFFF800] =	vst v2  }
0xdb: {  	v2 =	vld.idx.msk [tilespmem:v3+s11+$0x0], $0xffff  }
0xdc: {  	v3 =	vor.u32 $0x5, v1;
	_ =	sdelay $0x3  }
0xdd: {  	[tilespmem:s31+$0xFFFFF800] =	vst v2  }
0xde: {  	v2 =	vld.idx.msk [tilespmem:v3+s10+$0x0], $0xffff;
	_ =	sdelay $0x4  }
0xdf: {  	[tilespmem:s19+$0xFFFFFA00] =	vst v2  }
0xe0: {  	v2 =	vld.idx.msk [tilespmem:v3+s11+$0x0], $0xffff  }
0xe1: {  	v3 =	vor.u32 $0x6, v1;
	_ =	sdelay $0x3  }
0xe2: {  	[tilespmem:s31+$0xFFFFFA00] =	vst v2  }
0xe3: {  	v2 =	vld.idx.msk [tilespmem:v3+s10+$0x0], $0xffff;
	_ =	sdelay $0x4  }
0xe4: {  	[tilespmem:s19+$0xFFFFFC00] =	vst v2  }
0xe5: {  	v2 =	vld.idx.msk [tilespmem:v3+s11+$0x0], $0xffff  }
0xe6: {  	v3 =	vor.u32 $0x7, v1;
	_ =	sdelay $0x3  }
0xe7: {  	[tilespmem:s31+$0xFFFFFC00] =	vst v2  }
0xe8: {  	v2 =	vld.idx.msk [tilespmem:v3+s10+$0x0], $0xffff;
	_ =	sdelay $0x4  }
0xe9: {  	[tilespmem:s19+$0xFFFFFE00] =	vst v2  }
0xea: {  	v2 =	vld.idx.msk [tilespmem:v3+s11+$0x0], $0xffff  }
0xeb: {  	v3 =	vor.u32 $0x8, v1;
	_ =	sdelay $0x3  }
0xec: {  	[tilespmem:s31+$0xFFFFFE00] =	vst v2  }
0xed: {  	v2 =	vld.idx.msk [tilespmem:v3+s10+$0x0], $0xffff;
	_ =	sdelay $0x4  }
0xee: {  	[tilespmem:s19+$0x0] =	vst v2  }
0xef: {  	v2 =	vld.idx.msk [tilespmem:v3+s11+$0x0], $0xffff  }
0xf0: {  	v3 =	vor.u32 $0x9, v1;
	_ =	sdelay $0x3  }
0xf1: {  	[tilespmem:s31+$0x0] =	vst v2  }
0xf2: {  	v2 =	vld.idx.msk [tilespmem:v3+s10+$0x0], $0xffff;
	_ =	sdelay $0x4  }
0xf3: {  	[tilespmem:s19+$0x200] =	vst v2  }
0xf4: {  	v2 =	vld.idx.msk [tilespmem:v3+s11+$0x0], $0xffff  }
0xf5: {  	v3 =	vor.u32 $0xA, v1;
	_ =	sdelay $0x3  }
0xf6: {  	[tilespmem:s31+$0x200] =	vst v2  }
0xf7: {  	v2 =	vld.idx.msk [tilespmem:v3+s10+$0x0], $0xffff;
	_ =	sdelay $0x4  }
0xf8: {  	[tilespmem:s19+$0x400] =	vst v2  }
0xf9: {  	v2 =	vld.idx.msk [tilespmem:v3+s11+$0x0], $0xffff  }
0xfa: {  	v3 =	vor.u32 $0xB, v1;
	_ =	sdelay $0x3  }
0xfb: {  	[tilespmem:s31+$0x400] =	vst v2  }
0xfc: {  	v2 =	vld.idx.msk [tilespmem:v3+s10+$0x0], $0xffff;
	_ =	sdelay $0x4  }
0xfd: {  	[tilespmem:s19+$0x600] =	vst v2  }
0xfe: {  	v2 =	vld.idx.msk [tilespmem:v3+s11+$0x0], $0xffff  }
0xff: {  	v3 =	vor.u32 $0xC, v1;
	_ =	sdelay $0x3  }
0x100: {  	[tilespmem:s31+$0x600] =	vst v2  }
0x101: {  	v2 =	vld.idx.msk [tilespmem:v3+s10+$0x0], $0xffff;
	_ =	sdelay $0x4  }
0x102: {  	[tilespmem:s19+$0x800] =	vst v2  }
0x103: {  	v2 =	vld.idx.msk [tilespmem:v3+s11+$0x0], $0xffff  }
0x104: {  	v3 =	vor.u32 $0xD, v1;
	_ =	sdelay $0x3  }
0x105: {  	[tilespmem:s31+$0x800] =	vst v2  }
0x106: {  	v2 =	vld.idx.msk [tilespmem:v3+s10+$0x0], $0xffff;
	_ =	sdelay $0x4  }
0x107: {  	[tilespmem:s19+$0xA00] =	vst v2  }
0x108: {  	v2 =	vld.idx.msk [tilespmem:v3+s11+$0x0], $0xffff  }
0x109: {  	v3 =	vor.u32 $0xE, v1;
	_ =	sdelay $0x3  }
0x10a: {  	[tilespmem:s31+$0xA00] =	vst v2  }
0x10b: {  	v2 =	vld.idx.msk [tilespmem:v3+s10+$0x0], $0xffff;
	_ =	sdelay $0x4  }
0x10c: {  	[tilespmem:s19+$0xC00] =	vst v2  }
0x10d: {  	v2 =	vld.idx.msk [tilespmem:v3+s11+$0x0], $0xffff  }
0x10e: {  	v1 =	vor.u32 $0xF, v1;
	_ =	sdelay $0x3  }
0x10f: {  	[tilespmem:s31+$0xC00] =	vst v2  }
0x110: {  	v2 =	vld.idx.msk [tilespmem:v1+s10+$0x0], $0xffff;
	_ =	sdelay $0x4  }
0x111: {  	[tilespmem:s19+$0xE00] =	vst v2  }
0x112: {  	v1 =	vld.idx.msk [tilespmem:v1+s11+$0x0], $0xffff;
	_ =	sdelay $0x4  }
0x113: {  	[tilespmem:s31+$0xE00] =	vst v1  }
0x114: {  	[hbm4b:s6+s10] =	stream.strided.scatter [tilespmem:s15], [sflag:$0x3], $0x2000, s14, s10, $0x38;
	[tilespmem:$0x8200] =	vst v63  }
0x115: {  	s17 =	sadd.s32 $0x1, s17;
	_ =	swait.ge [sflag:s9], $0x2000  }
0x116: {  	p0 =	sne.s32 s17, s8;
	[sflag:s9] =	ssyncset.done $0x0  }
.Ltmp1:
0x117: {  	[sflag:s9] =	ssyncadd.s32 $0xFFFFE000;
	(pc) =	sbr.rel @p0 .LBB2_1-.Ltmp1, $4  }
0x118: {  	[hbm4b:s7+s10] =	stream.strided.scatter [tilespmem:s16], [sflag:$0x3], $0x2000, s14, s10, $0x38;
	[tilespmem:$0x8200] =	vst v63  }
0x119: {  	_ =	swait.ge [sflag:s9], $0x2000  }
0x11a: {  	[sflag:s9] =	ssyncset.done $0x0  }
0x11b: {  	[sflag:s9] =	ssyncadd.s32 $0xFFFFE000  }
0x11c: {  	_ =	sfence.sel $0x180000  }
0x11d: {  	[bflag:$0x0] =	sbarrier.arrive $0xFFFF  }
0x11e: {  	p0 =	sne.s32 s2, $0x0;
	_ =	strace $0x90000047  }
0x11f: {  	s0 =	sadd.s32 @!p0 $0x100000, s0;
	[bflag:$0x2] =	sbarrier.arrive $0xFFFF  }
0x120: {  	[sflag:s0] =	ssyncadd.tile.s32 @!p0 $0x1;
	_ =	shalt  }
.Lfunc_end2:
_tile_overlayer_lowered:
.L_overlay_start_2:
0x121: {  	(tag) =	ssettag $0x2  }
0x122: {  	s0 =	rddreg [dreg:$0x0];
	s2 =	stileid.u32  }
0x123: {  	s1 =	rddreg [dreg:$0x1];
	p0 =	sne.s32 s2, $0x0  }
0x124: {  	s3 =	rddreg [dreg:$0x2];
	[bflag:$0x3] =	sbarrier.arrive $0xFFFF;
	s2 =	simm.s32 @!p0 $0x1C03  }
0x125: {  	[timem:s3], [sflag:s2] =	dma.local @!p0 [hbm:s0], s1  }
0x126: {  	s0 =	simm.s32 @!p0 $0x3  }
0x127: {  	_ =	swait.ge @!p0 [sflag:s0], s1  }
0x128: {  	s1 =	ssub.s32 @!p0 $0x0, s1;
	[sflag:s0] =	ssyncset.done @!p0 $0x0  }
0x129: {  	[sflag:s0] =	ssyncadd.s32 @!p0 s1  }
0x12a: {  	[bflag:$0x3] =	sbarrier.arrive $0xFFFF  }
0x12b: {  	_ =	shalt  }

</sc_bundles>
